<compile_context>
chip_gen: v7x
topology: tpu7x:2x2x1
jax: 0.10.2.dev20260603
libtpu: 0.0.44.dev20260713+nightly
codegen_flags: <defaults>
</compile_context>

<pallas_src>
import functools

import jax
import jax.numpy as jnp
from jax import lax
from jax.experimental import pallas as pl
from jax.experimental.pallas import tpu as pltpu
from jax.experimental.pallas import tpu_sc as plsc

B = 16384
S = 50
DIM = 32
_info = plsc.get_sparse_core_info()
NC, NS = _info.num_cores, _info.num_subcores
NW = NC * NS
B_W = B // NW
BH_W = B_W // 128

_mesh = plsc.VectorSubcoreMesh(core_axis_name="c", subcore_axis_name="s")


@functools.partial(
    pl.kernel,
    mesh=_mesh,
    out_type=jax.ShapeDtypeStruct((S, DIM // 8, B // 128, 8, 128), jnp.float32),
    scratch_types=[
        pltpu.VMEM((S, B_W), jnp.int32),
        pltpu.VMEM((B_W, DIM), jnp.float32),
        pltpu.VMEM((B_W, DIM), jnp.float32),
        pltpu.VMEM((DIM // 8, BH_W + 1, 8, 129), jnp.float32),
        pltpu.VMEM((DIM // 8, BH_W + 1, 8, 129), jnp.float32),
        pltpu.SemaphoreType.DMA,
        pltpu.SemaphoreType.DMA,
        pltpu.SemaphoreType.DMA,
        pltpu.SemaphoreType.DMA,
    ],
    compiler_params=pltpu.CompilerParams(
        use_tc_tiling_on_sc=False,
        needs_layout_passes=False,
        skip_device_barrier=True,
    ),
)
def _gather_kernel(tok_hbm, table_hbm, out_hbm, idx_all,
                   rows0, rows1, trans0, trans1,
                   sem_g0, sem_g1, sem_s0, sem_s1):
    wid = lax.axis_index("s") * NC + lax.axis_index("c")
    b0 = wid * B_W
    bh0 = wid * BH_W
    lane = lax.iota(jnp.int32, 16)
    dh_lo = lane // 8
    dh_hi = dh_lo + 2
    dl_vec = lane % 8
    rows = (rows0, rows1)
    trans = (trans0, trans1)
    sem_g = (sem_g0, sem_g1)
    sem_s = (sem_s0, sem_s1)

    pltpu.sync_copy(tok_hbm.at[:, pl.ds(b0, B_W)], idx_all)
    pltpu.async_copy(table_hbm.at[idx_all.at[0]], rows0, sem_g0)

    def store_copy(b, s):
        return pltpu.make_async_copy(
            trans[b].at[:, pl.ds(0, BH_W), :, pl.ds(0, 128)],
            out_hbm.at[s, :, pl.ds(bh0, BH_W), :, :],
            sem_s[b],
        )

    def pair_body(p, carry):
        for b in range(2):
            s = 2 * p + b

            @pl.when(s >= 2)
            def _wait_prev_store():
                store_copy(b, s - 2).wait()

            pltpu.make_async_copy(
                table_hbm.at[idx_all.at[s]], rows[b], sem_g[b]
            ).wait()

            @pl.when(s + 1 < S)
            def _start_next_gather():
                pltpu.async_copy(
                    table_hbm.at[idx_all.at[s + 1]], rows[1 - b], sem_g[1 - b]
                )

            rows_v = rows[b]
            trans_v = trans[b]

            def t_body(tg, carry2):
                for j in range(8):
                    t = tg * 8 + j
                    gh = jnp.broadcast_to(t // 128, (16,))
                    bl = jnp.broadcast_to(t % 128, (16,))
                    lo = rows_v[t, pl.ds(0, 16)]
                    hi = rows_v[t, pl.ds(16, 16)]
                    plsc.store_scatter(trans_v, [dh_lo, gh, dl_vec, bl], lo)
                    plsc.store_scatter(trans_v, [dh_hi, gh, dl_vec, bl], hi)
                return carry2

            lax.fori_loop(0, B_W // 8, t_body, 0)
            pltpu.async_copy(
                trans_v.at[:, pl.ds(0, BH_W), :, pl.ds(0, 128)],
                out_hbm.at[s, :, pl.ds(bh0, BH_W), :, :],
                sem_s[b],
            )
        return carry

    lax.fori_loop(0, S // 2, pair_body, 0)

    store_copy(0, S - 2).wait()
    store_copy(1, S - 1).wait()


def kernel(token_ids, weight):
    tok_t = token_ids.T
    out5 = _gather_kernel(tok_t, weight)
    out = out5.transpose(2, 4, 0, 1, 3).reshape(B, S, DIM)
    return out

# --- scband reference (transcript-rebuilt; emitter-appended) ---
"""Pipeline reference for scband-embedding-65618510348756 (READ-ONLY COPY).

The authoritative reference and input builder live on the scoring server;
editing this copy changes nothing except your own understanding.
"""

import jax, jax.numpy as jnp
import numpy as np

NUM_EMBEDDINGS = 1000000
EMBEDDING_DIM = 32

def setup_inputs(seed: int = 0) -> dict:
    key = jax.random.key(seed)
    k_idx, k_w = jax.random.split(key)
    token_ids = jax.random.randint(k_idx, (16384, 50), 0, NUM_EMBEDDINGS, dtype=jnp.int64 if jax.config.jax_enable_x64 else jnp.int32)
    # truncated normal init with std=1, truncated at +/-3 std
    weight = jax.random.truncated_normal(k_w, -3.0, 3.0, (NUM_EMBEDDINGS, EMBEDDING_DIM), dtype=jnp.float32)
    return {"token_ids": token_ids, "weight": weight}

def reference(token_ids, weight):
    # Faithful translation of: return self.weight[token_ids]
    return jnp.take(weight, token_ids, axis=0)

if __name__ == "__main__":
    import jax
    _d = setup_inputs()
    print(jax.jit(kernel)(*tuple(_d.values())))

</pallas_src>

<mosaic_0001>
#map = affine_map<(d0, d1) -> (0, 0)>
#map1 = affine_map<(d0, d1) -> (0, 0, 0, 0, 0)>
module attributes {stable_mosaic.version = 14 : i64} {
  func.func @_gather_kernel(%arg0: i32, %arg1: i32, %arg2: memref<50x16384xi32, #tpu.memory_space<hbm>>, %arg3: memref<1000000x32xf32, #tpu.memory_space<hbm>>, %arg4: memref<50x4x128x8x128xf32, #tpu.memory_space<hbm>>, %arg5: memref<50x512xi32, #tpu.memory_space<vmem>>, %arg6: memref<512x32xf32, #tpu.memory_space<vmem>>, %arg7: memref<512x32xf32, #tpu.memory_space<vmem>>, %arg8: memref<4x5x8x129xf32, #tpu.memory_space<vmem>>, %arg9: memref<4x5x8x129xf32, #tpu.memory_space<vmem>>, %arg10: memref<!tpu.dma_semaphore, #tpu.memory_space<semaphore_mem>>, %arg11: memref<!tpu.dma_semaphore, #tpu.memory_space<semaphore_mem>>, %arg12: memref<!tpu.dma_semaphore, #tpu.memory_space<semaphore_mem>>, %arg13: memref<!tpu.dma_semaphore, #tpu.memory_space<semaphore_mem>>) attributes {dimension_semantics = [#tpu.dimension_semantics<core_parallel>, #tpu.dimension_semantics<subcore_parallel>], iteration_bounds = array<i64: 2, 16>, scalar_prefetch = 0 : i64, scratch_operands = 9 : i64, tpu.core_type = #tpu.core_type<sc_vector_subcore>, window_params = [{transform_indices = #map}, {transform_indices = #map}, {transform_indices = #map1}]} {
    %mul3A = arith.constant 2 : i32
    %mul3A_0 = arith.muli %arg1, %mul3A : i32
    %add3A = arith.addi %mul3A_0, %arg0 : i32
    %mul3A_1 = arith.constant 512 : i32
    %mul3A_2 = arith.muli %add3A, %mul3A_1 : i32
    %mul3A_3 = arith.constant 4 : i32
    %mul3A_4 = arith.muli %add3A, %mul3A_3 : i32
    %iota3A = tpu.iota {dimensions = array<i32: 0>} : vector<16xi32>
    %jit3A = arith.constant 8 : i32
    %div3A = vector.broadcast %jit3A : i32 to vector<16xi32>
    %div3A_5 = arith.divsi %iota3A, %div3A : vector<16xi32>
    %sign3A = arith.constant 0 : i32
    %sign3A_6 = vector.broadcast %sign3A : i32 to vector<16xi32>
    %sign3A_7 = arith.cmpi sgt, %iota3A, %sign3A_6 : vector<16xi32>
    %sign3A_8 = arith.extui %sign3A_7 : vector<16xi1> to vector<16xi32>
    %sign3A_9 = arith.constant 0 : i32
    %sign3A_10 = vector.broadcast %sign3A_9 : i32 to vector<16xi32>
    %sign3A_11 = arith.cmpi slt, %iota3A, %sign3A_10 : vector<16xi32>
    %sign3A_12 = arith.extui %sign3A_11 : vector<16xi1> to vector<16xi32>
    %sign3A_13 = arith.subi %sign3A_8, %sign3A_12 : vector<16xi32>
    %sign3A_14 = arith.constant 0 : i32
    %sign3A_15 = arith.cmpi sgt, %jit3A, %sign3A_14 : i32
    %sign3A_16 = arith.extui %sign3A_15 : i1 to i32
    %sign3A_17 = arith.constant 0 : i32
    %sign3A_18 = arith.cmpi slt, %jit3A, %sign3A_17 : i32
    %sign3A_19 = arith.extui %sign3A_18 : i1 to i32
    %sign3A_20 = arith.subi %sign3A_16, %sign3A_19 : i32
    %ne3A = vector.broadcast %sign3A_20 : i32 to vector<16xi32>
    %ne3A_21 = arith.cmpi ne, %sign3A_13, %ne3A : vector<16xi32>
    %rem3A = vector.broadcast %jit3A : i32 to vector<16xi32>
    %rem3A_22 = arith.remsi %iota3A, %rem3A : vector<16xi32>
    %ne3A_23 = arith.constant 0 : i32
    %ne3A_24 = vector.broadcast %ne3A_23 : i32 to vector<16xi32>
    %ne3A_25 = arith.cmpi ne, %rem3A_22, %ne3A_24 : vector<16xi32>
    %and3A = arith.andi %ne3A_21, %ne3A_25 : vector<16xi1>
    %sub3A = arith.constant 1 : i32
    %sub3A_26 = vector.broadcast %sub3A : i32 to vector<16xi32>
    %sub3A_27 = arith.subi %div3A_5, %sub3A_26 : vector<16xi32>
    %select_n3A = arith.select %and3A, %sub3A_27, %div3A_5 : vector<16xi1>, vector<16xi32>
    %add3A_28 = arith.constant 2 : i32
    %add3A_29 = vector.broadcast %add3A_28 : i32 to vector<16xi32>
    %add3A_30 = arith.addi %select_n3A, %add3A_29 : vector<16xi32>
    %jit3A_31 = arith.constant 8 : i32
    %eq3A = arith.constant 0 : i32
    %eq3A_32 = arith.cmpi eq, %jit3A_31, %eq3A : i32
    %jit3A_33 = arith.constant 1 : i32
    %select_n3A_34 = arith.select %eq3A_32, %jit3A_33, %jit3A_31 : i32
    %rem3A_35 = vector.broadcast %select_n3A_34 : i32 to vector<16xi32>
    %rem3A_36 = arith.remsi %iota3A, %rem3A_35 : vector<16xi32>
    %ne3A_37 = arith.constant 0 : i32
    %ne3A_38 = vector.broadcast %ne3A_37 : i32 to vector<16xi32>
    %ne3A_39 = arith.cmpi ne, %rem3A_36, %ne3A_38 : vector<16xi32>
    %lt3A = arith.constant 0 : i32
    %lt3A_40 = vector.broadcast %lt3A : i32 to vector<16xi32>
    %lt3A_41 = arith.cmpi slt, %rem3A_36, %lt3A_40 : vector<16xi32>
    %lt3A_42 = arith.constant 0 : i32
    %lt3A_43 = arith.cmpi slt, %select_n3A_34, %lt3A_42 : i32
    %ne3A_44 = vector.broadcast %lt3A_43 : i1 to vector<16xi1>
    %ne3A_45 = vector.broadcast %ne3A_44 : vector<16xi1> to vector<16xi1>
    %ne3A_46 = arith.xori %lt3A_41, %ne3A_45 : vector<16xi1>
    %and3A_47 = arith.andi %ne3A_46, %ne3A_39 : vector<16xi1>
    %add3A_48 = vector.broadcast %select_n3A_34 : i32 to vector<16xi32>
    %add3A_49 = arith.addi %rem3A_36, %add3A_48 : vector<16xi32>
    %select_n3A_50 = arith.select %and3A_47, %add3A_49, %rem3A_36 : vector<16xi1>, vector<16xi32>
    "tpu.region"() ({
      %run_scoped3A = tpu.sem_alloc : memref<!tpu.dma_semaphore, #tpu.memory_space<semaphore_mem>>
      %dma_start3A_103 = arith.constant 0 : i32
      %dma_start3A_104 = tpu.memref_slice %arg2[%dma_start3A_103, %mul3A_2] : memref<50x16384xi32, #tpu.memory_space<hbm>> -> memref<50x512xi32, #tpu.memory_space<hbm>>
      %dma_start3A_105 = arith.constant 0 : i32
      %dma_start3A_106 = tpu.memref_slice %arg2[%dma_start3A_105, %mul3A_2] : memref<50x16384xi32, #tpu.memory_space<hbm>> -> memref<50x512xi32, #tpu.memory_space<hbm>>
      tpu.enqueue_dma source(%dma_start3A_106 : memref<50x512xi32, #tpu.memory_space<hbm>>) target(%arg5 : memref<50x512xi32, #tpu.memory_space<vmem>>) target_semaphore(%run_scoped3A : memref<!tpu.dma_semaphore, #tpu.memory_space<semaphore_mem>>)
      %dma_wait3A_107 = arith.constant 0 : i32
      %dma_wait3A_108 = tpu.memref_slice %arg2[%dma_wait3A_107, %mul3A_2] : memref<50x16384xi32, #tpu.memory_space<hbm>> -> memref<50x512xi32, #tpu.memory_space<hbm>>
      %dma_wait3A_109 = arith.constant 0 : i32
      %dma_wait3A_110 = tpu.memref_slice %arg2[%dma_wait3A_109, %mul3A_2] : memref<50x16384xi32, #tpu.memory_space<hbm>> -> memref<50x512xi32, #tpu.memory_space<hbm>>
      tpu.wait_dma2 semaphore(%run_scoped3A : memref<!tpu.dma_semaphore, #tpu.memory_space<semaphore_mem>>) src(%dma_wait3A_110 : memref<50x512xi32, #tpu.memory_space<hbm>>) dst(%arg5 : memref<50x512xi32, #tpu.memory_space<vmem>>)
      tpu.yield
    }) : () -> ()
    %dma_start3A = arith.constant 0 : i32
    %dma_start3A_51 = arith.constant 0 : i32
    %dma_start3A_52 = tpu.memref_slice %arg5[%dma_start3A, %dma_start3A_51] : memref<50x512xi32, #tpu.memory_space<vmem>> -> memref<1x512xi32, #tpu.memory_space<vmem>>
    %dma_start3A_53 = tpu.memref_squeeze %dma_start3A_52 : memref<1x512xi32, #tpu.memory_space<vmem>> -> memref<512xi32, #tpu.memory_space<vmem>>
    %dma_start3A_54 = arith.constant 0 : i32
    %dma_start3A_55 = arith.constant 0 : i32
    %dma_start3A_56 = tpu.memref_slice %arg3[%dma_start3A_54, %dma_start3A_55] : memref<1000000x32xf32, #tpu.memory_space<hbm>> -> memref<1000000x32xf32, #tpu.memory_space<hbm>>
    tpu.enqueue_indirect_dma source(%dma_start3A_56 : memref<1000000x32xf32, #tpu.memory_space<hbm>>) target(%arg6 : memref<512x32xf32, #tpu.memory_space<vmem>>) offsets(%dma_start3A_53 : memref<512xi32, #tpu.memory_space<vmem>>) semaphore(%arg10 : memref<!tpu.dma_semaphore, #tpu.memory_space<semaphore_mem>>)
    %scan3A = arith.constant 0 : i32
    %scan3A_57 = arith.constant 0 : i32
    %scan3A_58 = arith.constant 25 : i32
    %scan3A_59 = arith.addi %scan3A_57, %scan3A_58 : i32
    %scan3A_60 = arith.constant 1 : i32
    scf.for %scan3A_103 = %scan3A_57 to %scan3A_59 step %scan3A_60  : i32 {
      %mul3A_104 = arith.constant 2 : i32
      %mul3A_105 = arith.muli %mul3A_104, %scan3A_103 : i32
      %add3A_106 = arith.constant 0 : i32
      %add3A_107 = arith.addi %mul3A_105, %add3A_106 : i32
      %ge3A = arith.constant 2 : i32
      %ge3A_108 = arith.cmpi sge, %add3A_107, %ge3A : i32
      %convert_element_type3A = arith.extui %ge3A_108 : i1 to i32
      %cond3A = arith.constant 0 : i32
      %cond3A_109 = arith.cmpi ne, %convert_element_type3A, %cond3A : i32
      scf.if %cond3A_109 {
        %sub3A_197 = arith.constant 2 : i32
        %sub3A_198 = arith.subi %add3A_107, %sub3A_197 : i32
        %dma_wait3A_199 = arith.constant 0 : i32
        %dma_wait3A_200 = arith.constant 0 : i32
        %dma_wait3A_201 = arith.constant 0 : i32
        %dma_wait3A_202 = arith.constant 0 : i32
        %dma_wait3A_203 = tpu.memref_slice %arg8[%dma_wait3A_199, %dma_wait3A_200, %dma_wait3A_201, %dma_wait3A_202] : memref<4x5x8x129xf32, #tpu.memory_space<vmem>> -> memref<4x4x8x128xf32, #tpu.memory_space<vmem>>
        %dma_wait3A_204 = arith.constant 0 : i32
        %dma_wait3A_205 = arith.constant 0 : i32
        %dma_wait3A_206 = arith.constant 0 : i32
        %dma_wait3A_207 = tpu.memref_slice %arg4[%sub3A_198, %dma_wait3A_204, %mul3A_4, %dma_wait3A_205, %dma_wait3A_206] : memref<50x4x128x8x128xf32, #tpu.memory_space<hbm>> -> memref<1x4x4x8x128xf32, #tpu.memory_space<hbm>>
        %dma_wait3A_208 = tpu.memref_squeeze %dma_wait3A_207 : memref<1x4x4x8x128xf32, #tpu.memory_space<hbm>> -> memref<4x4x8x128xf32, #tpu.memory_space<hbm>>
        %dma_wait3A_209 = arith.constant 0 : i32
        %dma_wait3A_210 = arith.constant 0 : i32
        %dma_wait3A_211 = arith.constant 0 : i32
        %dma_wait3A_212 = tpu.memref_slice %arg4[%sub3A_198, %dma_wait3A_209, %mul3A_4, %dma_wait3A_210, %dma_wait3A_211] : memref<50x4x128x8x128xf32, #tpu.memory_space<hbm>> -> memref<1x4x4x8x128xf32, #tpu.memory_space<hbm>>
        %dma_wait3A_213 = tpu.memref_squeeze %dma_wait3A_212 : memref<1x4x4x8x128xf32, #tpu.memory_space<hbm>> -> memref<4x4x8x128xf32, #tpu.memory_space<hbm>>
        %dma_wait3A_214 = arith.constant 0 : i32
        %dma_wait3A_215 = arith.constant 0 : i32
        %dma_wait3A_216 = arith.constant 0 : i32
        %dma_wait3A_217 = arith.constant 0 : i32
        %dma_wait3A_218 = tpu.memref_slice %arg8[%dma_wait3A_214, %dma_wait3A_215, %dma_wait3A_216, %dma_wait3A_217] : memref<4x5x8x129xf32, #tpu.memory_space<vmem>> -> memref<4x4x8x128xf32, #tpu.memory_space<vmem>>
        tpu.wait_dma2 semaphore(%arg12 : memref<!tpu.dma_semaphore, #tpu.memory_space<semaphore_mem>>) src(%dma_wait3A_218 : memref<4x4x8x128xf32, #tpu.memory_space<vmem>>) dst(%dma_wait3A_213 : memref<4x4x8x128xf32, #tpu.memory_space<hbm>>)
      } else {
      }
      %dma_wait3A_110 = arith.constant 0 : i32
      %dma_wait3A_111 = tpu.memref_slice %arg5[%add3A_107, %dma_wait3A_110] : memref<50x512xi32, #tpu.memory_space<vmem>> -> memref<1x512xi32, #tpu.memory_space<vmem>>
      %dma_wait3A_112 = tpu.memref_squeeze %dma_wait3A_111 : memref<1x512xi32, #tpu.memory_space<vmem>> -> memref<512xi32, #tpu.memory_space<vmem>>
      %dma_wait3A_113 = arith.constant 0 : i32
      %dma_wait3A_114 = arith.constant 0 : i32
      %dma_wait3A_115 = tpu.memref_slice %arg3[%dma_wait3A_113, %dma_wait3A_114] : memref<1000000x32xf32, #tpu.memory_space<hbm>> -> memref<1000000x32xf32, #tpu.memory_space<hbm>>
      tpu.wait_indirect_dma semaphore(%arg10 : memref<!tpu.dma_semaphore, #tpu.memory_space<semaphore_mem>>) src(%dma_wait3A_115 : memref<1000000x32xf32, #tpu.memory_space<hbm>>) dst(%arg6 : memref<512x32xf32, #tpu.memory_space<vmem>>)
      %add3A_116 = arith.constant 1 : i32
      %add3A_117 = arith.addi %add3A_107, %add3A_116 : i32
      %lt3A_118 = arith.constant 50 : i32
      %lt3A_119 = arith.cmpi slt, %add3A_117, %lt3A_118 : i32
      %convert_element_type3A_120 = arith.extui %lt3A_119 : i1 to i32
      %cond3A_121 = arith.constant 0 : i32
      %cond3A_122 = arith.cmpi ne, %convert_element_type3A_120, %cond3A_121 : i32
      scf.if %cond3A_122 {
        %add3A_197 = arith.constant 1 : i32
        %add3A_198 = arith.addi %add3A_107, %add3A_197 : i32
        %dma_start3A_199 = arith.constant 0 : i32
        %dma_start3A_200 = tpu.memref_slice %arg5[%add3A_198, %dma_start3A_199] : memref<50x512xi32, #tpu.memory_space<vmem>> -> memref<1x512xi32, #tpu.memory_space<vmem>>
        %dma_start3A_201 = tpu.memref_squeeze %dma_start3A_200 : memref<1x512xi32, #tpu.memory_space<vmem>> -> memref<512xi32, #tpu.memory_space<vmem>>
        %dma_start3A_202 = arith.constant 0 : i32
        %dma_start3A_203 = arith.constant 0 : i32
        %dma_start3A_204 = tpu.memref_slice %arg3[%dma_start3A_202, %dma_start3A_203] : memref<1000000x32xf32, #tpu.memory_space<hbm>> -> memref<1000000x32xf32, #tpu.memory_space<hbm>>
        tpu.enqueue_indirect_dma source(%dma_start3A_204 : memref<1000000x32xf32, #tpu.memory_space<hbm>>) target(%arg7 : memref<512x32xf32, #tpu.memory_space<vmem>>) offsets(%dma_start3A_201 : memref<512xi32, #tpu.memory_space<vmem>>) semaphore(%arg11 : memref<!tpu.dma_semaphore, #tpu.memory_space<semaphore_mem>>)
      } else {
      }
      %scan3A_123 = arith.constant 0 : i32
      %scan3A_124 = arith.constant 0 : i32
      %scan3A_125 = arith.constant 64 : i32
      %scan3A_126 = arith.addi %scan3A_124, %scan3A_125 : i32
      %scan3A_127 = arith.constant 1 : i32
      scf.for %scan3A_197 = %scan3A_124 to %scan3A_126 step %scan3A_127  : i32 {
        %mul3A_198 = arith.constant 8 : i32
        %mul3A_199 = arith.muli %scan3A_197, %mul3A_198 : i32
        %add3A_200 = arith.constant 0 : i32
        %add3A_201 = arith.addi %mul3A_199, %add3A_200 : i32
        %jit3A_202 = arith.constant 128 : i32
        %div3A_203 = arith.divsi %add3A_201, %jit3A_202 : i32
        %sign3A_204 = arith.constant 0 : i32
        %sign3A_205 = arith.cmpi sgt, %add3A_201, %sign3A_204 : i32
        %sign3A_206 = arith.extui %sign3A_205 : i1 to i32
        %sign3A_207 = arith.constant 0 : i32
        %sign3A_208 = arith.cmpi slt, %add3A_201, %sign3A_207 : i32
        %sign3A_209 = arith.extui %sign3A_208 : i1 to i32
        %sign3A_210 = arith.subi %sign3A_206, %sign3A_209 : i32
        %sign3A_211 = arith.constant 0 : i32
        %sign3A_212 = arith.cmpi sgt, %jit3A_202, %sign3A_211 : i32
        %sign3A_213 = arith.extui %sign3A_212 : i1 to i32
        %sign3A_214 = arith.constant 0 : i32
        %sign3A_215 = arith.cmpi slt, %jit3A_202, %sign3A_214 : i32
        %sign3A_216 = arith.extui %sign3A_215 : i1 to i32
        %sign3A_217 = arith.subi %sign3A_213, %sign3A_216 : i32
        %ne3A_218 = arith.cmpi ne, %sign3A_210, %sign3A_217 : i32
        %rem3A_219 = arith.remsi %add3A_201, %jit3A_202 : i32
        %ne3A_220 = arith.constant 0 : i32
        %ne3A_221 = arith.cmpi ne, %rem3A_219, %ne3A_220 : i32
        %and3A_222 = arith.andi %ne3A_218, %ne3A_221 : i1
        %sub3A_223 = arith.constant 1 : i32
        %sub3A_224 = arith.subi %div3A_203, %sub3A_223 : i32
        %select_n3A_225 = arith.select %and3A_222, %sub3A_224, %div3A_203 : i32
        %broadcast_in_dim3A = vector.broadcast %select_n3A_225 : i32 to vector<16xi32>
        %jit3A_226 = arith.constant 128 : i32
        %eq3A_227 = arith.constant 0 : i32
        %eq3A_228 = arith.cmpi eq, %jit3A_226, %eq3A_227 : i32
        %jit3A_229 = arith.constant 1 : i32
        %select_n3A_230 = arith.select %eq3A_228, %jit3A_229, %jit3A_226 : i32
        %rem3A_231 = arith.remsi %add3A_201, %select_n3A_230 : i32
        %ne3A_232 = arith.constant 0 : i32
        %ne3A_233 = arith.cmpi ne, %rem3A_231, %ne3A_232 : i32
        %lt3A_234 = arith.constant 0 : i32
        %lt3A_235 = arith.cmpi slt, %rem3A_231, %lt3A_234 : i32
        %lt3A_236 = arith.constant 0 : i32
        %lt3A_237 = arith.cmpi slt, %select_n3A_230, %lt3A_236 : i32
        %ne3A_238 = arith.xori %lt3A_235, %lt3A_237 : i1
        %and3A_239 = arith.andi %ne3A_238, %ne3A_233 : i1
        %add3A_240 = arith.addi %rem3A_231, %select_n3A_230 : i32
        %select_n3A_241 = arith.select %and3A_239, %add3A_240, %rem3A_231 : i32
        %broadcast_in_dim3A_242 = vector.broadcast %select_n3A_241 : i32 to vector<16xi32>
        %get3A = arith.index_cast %add3A_201 : i32 to index
        %get3A_243 = arith.constant 0 : index
        %get3A_244 = tpu.vector_load %arg6[%get3A, %get3A_243] {strides = array<i32>} : memref<512x32xf32, #tpu.memory_space<vmem>>, vector<16xf32>,
        %get3A_245 = arith.index_cast %add3A_201 : i32 to index
        %get3A_246 = arith.constant 16 : index
        %get3A_247 = tpu.vector_load %arg6[%get3A_245, %get3A_246] {strides = array<i32>} : memref<512x32xf32, #tpu.memory_space<vmem>>, vector<16xf32>,
        tpu.vector_store_idx %arg8[%select_n3A, %broadcast_in_dim3A, %select_n3A_50, %broadcast_in_dim3A_242], %get3A_244 : memref<4x5x8x129xf32, #tpu.memory_space<vmem>>[vector<16xi32>, vector<16xi32>, vector<16xi32>, vector<16xi32>], vector<16xf32>,
        tpu.vector_store_idx %arg8[%add3A_30, %broadcast_in_dim3A, %select_n3A_50, %broadcast_in_dim3A_242], %get3A_247 : memref<4x5x8x129xf32, #tpu.memory_space<vmem>>[vector<16xi32>, vector<16xi32>, vector<16xi32>, vector<16xi32>], vector<16xf32>,
        %mul3A_248 = arith.constant 8 : i32
        %mul3A_249 = arith.muli %scan3A_197, %mul3A_248 : i32
        %add3A_250 = arith.constant 1 : i32
        %add3A_251 = arith.addi %mul3A_249, %add3A_250 : i32
        %jit3A_252 = arith.constant 128 : i32
        %div3A_253 = arith.divsi %add3A_251, %jit3A_252 : i32
        %sign3A_254 = arith.constant 0 : i32
        %sign3A_255 = arith.cmpi sgt, %add3A_251, %sign3A_254 : i32
        %sign3A_256 = arith.extui %sign3A_255 : i1 to i32
        %sign3A_257 = arith.constant 0 : i32
        %sign3A_258 = arith.cmpi slt, %add3A_251, %sign3A_257 : i32
        %sign3A_259 = arith.extui %sign3A_258 : i1 to i32
        %sign3A_260 = arith.subi %sign3A_256, %sign3A_259 : i32
        %sign3A_261 = arith.constant 0 : i32
        %sign3A_262 = arith.cmpi sgt, %jit3A_252, %sign3A_261 : i32
        %sign3A_263 = arith.extui %sign3A_262 : i1 to i32
        %sign3A_264 = arith.constant 0 : i32
        %sign3A_265 = arith.cmpi slt, %jit3A_252, %sign3A_264 : i32
        %sign3A_266 = arith.extui %sign3A_265 : i1 to i32
        %sign3A_267 = arith.subi %sign3A_263, %sign3A_266 : i32
        %ne3A_268 = arith.cmpi ne, %sign3A_260, %sign3A_267 : i32
        %rem3A_269 = arith.remsi %add3A_251, %jit3A_252 : i32
        %ne3A_270 = arith.constant 0 : i32
        %ne3A_271 = arith.cmpi ne, %rem3A_269, %ne3A_270 : i32
        %and3A_272 = arith.andi %ne3A_268, %ne3A_271 : i1
        %sub3A_273 = arith.constant 1 : i32
        %sub3A_274 = arith.subi %div3A_253, %sub3A_273 : i32
        %select_n3A_275 = arith.select %and3A_272, %sub3A_274, %div3A_253 : i32
        %broadcast_in_dim3A_276 = vector.broadcast %select_n3A_275 : i32 to vector<16xi32>
        %jit3A_277 = arith.constant 128 : i32
        %eq3A_278 = arith.constant 0 : i32
        %eq3A_279 = arith.cmpi eq, %jit3A_277, %eq3A_278 : i32
        %jit3A_280 = arith.constant 1 : i32
        %select_n3A_281 = arith.select %eq3A_279, %jit3A_280, %jit3A_277 : i32
        %rem3A_282 = arith.remsi %add3A_251, %select_n3A_281 : i32
        %ne3A_283 = arith.constant 0 : i32
        %ne3A_284 = arith.cmpi ne, %rem3A_282, %ne3A_283 : i32
        %lt3A_285 = arith.constant 0 : i32
        %lt3A_286 = arith.cmpi slt, %rem3A_282, %lt3A_285 : i32
        %lt3A_287 = arith.constant 0 : i32
        %lt3A_288 = arith.cmpi slt, %select_n3A_281, %lt3A_287 : i32
        %ne3A_289 = arith.xori %lt3A_286, %lt3A_288 : i1
        %and3A_290 = arith.andi %ne3A_289, %ne3A_284 : i1
        %add3A_291 = arith.addi %rem3A_282, %select_n3A_281 : i32
        %select_n3A_292 = arith.select %and3A_290, %add3A_291, %rem3A_282 : i32
        %broadcast_in_dim3A_293 = vector.broadcast %select_n3A_292 : i32 to vector<16xi32>
        %get3A_294 = arith.index_cast %add3A_251 : i32 to index
        %get3A_295 = arith.constant 0 : index
        %get3A_296 = tpu.vector_load %arg6[%get3A_294, %get3A_295] {strides = array<i32>} : memref<512x32xf32, #tpu.memory_space<vmem>>, vector<16xf32>,
        %get3A_297 = arith.index_cast %add3A_251 : i32 to index
        %get3A_298 = arith.constant 16 : index
        %get3A_299 = tpu.vector_load %arg6[%get3A_297, %get3A_298] {strides = array<i32>} : memref<512x32xf32, #tpu.memory_space<vmem>>, vector<16xf32>,
        tpu.vector_store_idx %arg8[%select_n3A, %broadcast_in_dim3A_276, %select_n3A_50, %broadcast_in_dim3A_293], %get3A_296 : memref<4x5x8x129xf32, #tpu.memory_space<vmem>>[vector<16xi32>, vector<16xi32>, vector<16xi32>, vector<16xi32>], vector<16xf32>,
        tpu.vector_store_idx %arg8[%add3A_30, %broadcast_in_dim3A_276, %select_n3A_50, %broadcast_in_dim3A_293], %get3A_299 : memref<4x5x8x129xf32, #tpu.memory_space<vmem>>[vector<16xi32>, vector<16xi32>, vector<16xi32>, vector<16xi32>], vector<16xf32>,
        %mul3A_300 = arith.constant 8 : i32
        %mul3A_301 = arith.muli %scan3A_197, %mul3A_300 : i32
        %add3A_302 = arith.constant 2 : i32
        %add3A_303 = arith.addi %mul3A_301, %add3A_302 : i32
        %jit3A_304 = arith.constant 128 : i32
        %div3A_305 = arith.divsi %add3A_303, %jit3A_304 : i32
        %sign3A_306 = arith.constant 0 : i32
        %sign3A_307 = arith.cmpi sgt, %add3A_303, %sign3A_306 : i32
        %sign3A_308 = arith.extui %sign3A_307 : i1 to i32
        %sign3A_309 = arith.constant 0 : i32
        %sign3A_310 = arith.cmpi slt, %add3A_303, %sign3A_309 : i32
        %sign3A_311 = arith.extui %sign3A_310 : i1 to i32
        %sign3A_312 = arith.subi %sign3A_308, %sign3A_311 : i32
        %sign3A_313 = arith.constant 0 : i32
        %sign3A_314 = arith.cmpi sgt, %jit3A_304, %sign3A_313 : i32
        %sign3A_315 = arith.extui %sign3A_314 : i1 to i32
        %sign3A_316 = arith.constant 0 : i32
        %sign3A_317 = arith.cmpi slt, %jit3A_304, %sign3A_316 : i32
        %sign3A_318 = arith.extui %sign3A_317 : i1 to i32
        %sign3A_319 = arith.subi %sign3A_315, %sign3A_318 : i32
        %ne3A_320 = arith.cmpi ne, %sign3A_312, %sign3A_319 : i32
        %rem3A_321 = arith.remsi %add3A_303, %jit3A_304 : i32
        %ne3A_322 = arith.constant 0 : i32
        %ne3A_323 = arith.cmpi ne, %rem3A_321, %ne3A_322 : i32
        %and3A_324 = arith.andi %ne3A_320, %ne3A_323 : i1
        %sub3A_325 = arith.constant 1 : i32
        %sub3A_326 = arith.subi %div3A_305, %sub3A_325 : i32
        %select_n3A_327 = arith.select %and3A_324, %sub3A_326, %div3A_305 : i32
        %broadcast_in_dim3A_328 = vector.broadcast %select_n3A_327 : i32 to vector<16xi32>
        %jit3A_329 = arith.constant 128 : i32
        %eq3A_330 = arith.constant 0 : i32
        %eq3A_331 = arith.cmpi eq, %jit3A_329, %eq3A_330 : i32
        %jit3A_332 = arith.constant 1 : i32
        %select_n3A_333 = arith.select %eq3A_331, %jit3A_332, %jit3A_329 : i32
        %rem3A_334 = arith.remsi %add3A_303, %select_n3A_333 : i32
        %ne3A_335 = arith.constant 0 : i32
        %ne3A_336 = arith.cmpi ne, %rem3A_334, %ne3A_335 : i32
        %lt3A_337 = arith.constant 0 : i32
        %lt3A_338 = arith.cmpi slt, %rem3A_334, %lt3A_337 : i32
        %lt3A_339 = arith.constant 0 : i32
        %lt3A_340 = arith.cmpi slt, %select_n3A_333, %lt3A_339 : i32
        %ne3A_341 = arith.xori %lt3A_338, %lt3A_340 : i1
        %and3A_342 = arith.andi %ne3A_341, %ne3A_336 : i1
        %add3A_343 = arith.addi %rem3A_334, %select_n3A_333 : i32
        %select_n3A_344 = arith.select %and3A_342, %add3A_343, %rem3A_334 : i32
        %broadcast_in_dim3A_345 = vector.broadcast %select_n3A_344 : i32 to vector<16xi32>
        %get3A_346 = arith.index_cast %add3A_303 : i32 to index
        %get3A_347 = arith.constant 0 : index
        %get3A_348 = tpu.vector_load %arg6[%get3A_346, %get3A_347] {strides = array<i32>} : memref<512x32xf32, #tpu.memory_space<vmem>>, vector<16xf32>,
        %get3A_349 = arith.index_cast %add3A_303 : i32 to index
        %get3A_350 = arith.constant 16 : index
        %get3A_351 = tpu.vector_load %arg6[%get3A_349, %get3A_350] {strides = array<i32>} : memref<512x32xf32, #tpu.memory_space<vmem>>, vector<16xf32>,
        tpu.vector_store_idx %arg8[%select_n3A, %broadcast_in_dim3A_328, %select_n3A_50, %broadcast_in_dim3A_345], %get3A_348 : memref<4x5x8x129xf32, #tpu.memory_space<vmem>>[vector<16xi32>, vector<16xi32>, vector<16xi32>, vector<16xi32>], vector<16xf32>,
        tpu.vector_store_idx %arg8[%add3A_30, %broadcast_in_dim3A_328, %select_n3A_50, %broadcast_in_dim3A_345], %get3A_351 : memref<4x5x8x129xf32, #tpu.memory_space<vmem>>[vector<16xi32>, vector<16xi32>, vector<16xi32>, vector<16xi32>], vector<16xf32>,
        %mul3A_352 = arith.constant 8 : i32
        %mul3A_353 = arith.muli %scan3A_197, %mul3A_352 : i32
        %add3A_354 = arith.constant 3 : i32
        %add3A_355 = arith.addi %mul3A_353, %add3A_354 : i32
        %jit3A_356 = arith.constant 128 : i32
        %div3A_357 = arith.divsi %add3A_355, %jit3A_356 : i32
        %sign3A_358 = arith.constant 0 : i32
        %sign3A_359 = arith.cmpi sgt, %add3A_355, %sign3A_358 : i32
        %sign3A_360 = arith.extui %sign3A_359 : i1 to i32
        %sign3A_361 = arith.constant 0 : i32
        %sign3A_362 = arith.cmpi slt, %add3A_355, %sign3A_361 : i32
        %sign3A_363 = arith.extui %sign3A_362 : i1 to i32
        %sign3A_364 = arith.subi %sign3A_360, %sign3A_363 : i32
        %sign3A_365 = arith.constant 0 : i32
        %sign3A_366 = arith.cmpi sgt, %jit3A_356, %sign3A_365 : i32
        %sign3A_367 = arith.extui %sign3A_366 : i1 to i32
        %sign3A_368 = arith.constant 0 : i32
        %sign3A_369 = arith.cmpi slt, %jit3A_356, %sign3A_368 : i32
        %sign3A_370 = arith.extui %sign3A_369 : i1 to i32
        %sign3A_371 = arith.subi %sign3A_367, %sign3A_370 : i32
        %ne3A_372 = arith.cmpi ne, %sign3A_364, %sign3A_371 : i32
        %rem3A_373 = arith.remsi %add3A_355, %jit3A_356 : i32
        %ne3A_374 = arith.constant 0 : i32
        %ne3A_375 = arith.cmpi ne, %rem3A_373, %ne3A_374 : i32
        %and3A_376 = arith.andi %ne3A_372, %ne3A_375 : i1
        %sub3A_377 = arith.constant 1 : i32
        %sub3A_378 = arith.subi %div3A_357, %sub3A_377 : i32
        %select_n3A_379 = arith.select %and3A_376, %sub3A_378, %div3A_357 : i32
        %broadcast_in_dim3A_380 = vector.broadcast %select_n3A_379 : i32 to vector<16xi32>
        %jit3A_381 = arith.constant 128 : i32
        %eq3A_382 = arith.constant 0 : i32
        %eq3A_383 = arith.cmpi eq, %jit3A_381, %eq3A_382 : i32
        %jit3A_384 = arith.constant 1 : i32
        %select_n3A_385 = arith.select %eq3A_383, %jit3A_384, %jit3A_381 : i32
        %rem3A_386 = arith.remsi %add3A_355, %select_n3A_385 : i32
        %ne3A_387 = arith.constant 0 : i32
        %ne3A_388 = arith.cmpi ne, %rem3A_386, %ne3A_387 : i32
        %lt3A_389 = arith.constant 0 : i32
        %lt3A_390 = arith.cmpi slt, %rem3A_386, %lt3A_389 : i32
        %lt3A_391 = arith.constant 0 : i32
        %lt3A_392 = arith.cmpi slt, %select_n3A_385, %lt3A_391 : i32
        %ne3A_393 = arith.xori %lt3A_390, %lt3A_392 : i1
        %and3A_394 = arith.andi %ne3A_393, %ne3A_388 : i1
        %add3A_395 = arith.addi %rem3A_386, %select_n3A_385 : i32
        %select_n3A_396 = arith.select %and3A_394, %add3A_395, %rem3A_386 : i32
        %broadcast_in_dim3A_397 = vector.broadcast %select_n3A_396 : i32 to vector<16xi32>
        %get3A_398 = arith.index_cast %add3A_355 : i32 to index
        %get3A_399 = arith.constant 0 : index
        %get3A_400 = tpu.vector_load %arg6[%get3A_398, %get3A_399] {strides = array<i32>} : memref<512x32xf32, #tpu.memory_space<vmem>>, vector<16xf32>,
        %get3A_401 = arith.index_cast %add3A_355 : i32 to index
        %get3A_402 = arith.constant 16 : index
        %get3A_403 = tpu.vector_load %arg6[%get3A_401, %get3A_402] {strides = array<i32>} : memref<512x32xf32, #tpu.memory_space<vmem>>, vector<16xf32>,
        tpu.vector_store_idx %arg8[%select_n3A, %broadcast_in_dim3A_380, %select_n3A_50, %broadcast_in_dim3A_397], %get3A_400 : memref<4x5x8x129xf32, #tpu.memory_space<vmem>>[vector<16xi32>, vector<16xi32>, vector<16xi32>, vector<16xi32>], vector<16xf32>,
        tpu.vector_store_idx %arg8[%add3A_30, %broadcast_in_dim3A_380, %select_n3A_50, %broadcast_in_dim3A_397], %get3A_403 : memref<4x5x8x129xf32, #tpu.memory_space<vmem>>[vector<16xi32>, vector<16xi32>, vector<16xi32>, vector<16xi32>], vector<16xf32>,
        %mul3A_404 = arith.constant 8 : i32
        %mul3A_405 = arith.muli %scan3A_197, %mul3A_404 : i32
        %add3A_406 = arith.constant 4 : i32
        %add3A_407 = arith.addi %mul3A_405, %add3A_406 : i32
        %jit3A_408 = arith.constant 128 : i32
        %div3A_409 = arith.divsi %add3A_407, %jit3A_408 : i32
        %sign3A_410 = arith.constant 0 : i32
        %sign3A_411 = arith.cmpi sgt, %add3A_407, %sign3A_410 : i32
        %sign3A_412 = arith.extui %sign3A_411 : i1 to i32
        %sign3A_413 = arith.constant 0 : i32
        %sign3A_414 = arith.cmpi slt, %add3A_407, %sign3A_413 : i32
        %sign3A_415 = arith.extui %sign3A_414 : i1 to i32
        %sign3A_416 = arith.subi %sign3A_412, %sign3A_415 : i32
        %sign3A_417 = arith.constant 0 : i32
        %sign3A_418 = arith.cmpi sgt, %jit3A_408, %sign3A_417 : i32
        %sign3A_419 = arith.extui %sign3A_418 : i1 to i32
        %sign3A_420 = arith.constant 0 : i32
        %sign3A_421 = arith.cmpi slt, %jit3A_408, %sign3A_420 : i32
        %sign3A_422 = arith.extui %sign3A_421 : i1 to i32
        %sign3A_423 = arith.subi %sign3A_419, %sign3A_422 : i32
        %ne3A_424 = arith.cmpi ne, %sign3A_416, %sign3A_423 : i32
        %rem3A_425 = arith.remsi %add3A_407, %jit3A_408 : i32
        %ne3A_426 = arith.constant 0 : i32
        %ne3A_427 = arith.cmpi ne, %rem3A_425, %ne3A_426 : i32
        %and3A_428 = arith.andi %ne3A_424, %ne3A_427 : i1
        %sub3A_429 = arith.constant 1 : i32
        %sub3A_430 = arith.subi %div3A_409, %sub3A_429 : i32
        %select_n3A_431 = arith.select %and3A_428, %sub3A_430, %div3A_409 : i32
        %broadcast_in_dim3A_432 = vector.broadcast %select_n3A_431 : i32 to vector<16xi32>
        %jit3A_433 = arith.constant 128 : i32
        %eq3A_434 = arith.constant 0 : i32
        %eq3A_435 = arith.cmpi eq, %jit3A_433, %eq3A_434 : i32
        %jit3A_436 = arith.constant 1 : i32
        %select_n3A_437 = arith.select %eq3A_435, %jit3A_436, %jit3A_433 : i32
        %rem3A_438 = arith.remsi %add3A_407, %select_n3A_437 : i32
        %ne3A_439 = arith.constant 0 : i32
        %ne3A_440 = arith.cmpi ne, %rem3A_438, %ne3A_439 : i32
        %lt3A_441 = arith.constant 0 : i32
        %lt3A_442 = arith.cmpi slt, %rem3A_438, %lt3A_441 : i32
        %lt3A_443 = arith.constant 0 : i32
        %lt3A_444 = arith.cmpi slt, %select_n3A_437, %lt3A_443 : i32
        %ne3A_445 = arith.xori %lt3A_442, %lt3A_444 : i1
        %and3A_446 = arith.andi %ne3A_445, %ne3A_440 : i1
        %add3A_447 = arith.addi %rem3A_438, %select_n3A_437 : i32
        %select_n3A_448 = arith.select %and3A_446, %add3A_447, %rem3A_438 : i32
        %broadcast_in_dim3A_449 = vector.broadcast %select_n3A_448 : i32 to vector<16xi32>
        %get3A_450 = arith.index_cast %add3A_407 : i32 to index
        %get3A_451 = arith.constant 0 : index
        %get3A_452 = tpu.vector_load %arg6[%get3A_450, %get3A_451] {strides = array<i32>} : memref<512x32xf32, #tpu.memory_space<vmem>>, vector<16xf32>,
        %get3A_453 = arith.index_cast %add3A_407 : i32 to index
        %get3A_454 = arith.constant 16 : index
        %get3A_455 = tpu.vector_load %arg6[%get3A_453, %get3A_454] {strides = array<i32>} : memref<512x32xf32, #tpu.memory_space<vmem>>, vector<16xf32>,
        tpu.vector_store_idx %arg8[%select_n3A, %broadcast_in_dim3A_432, %select_n3A_50, %broadcast_in_dim3A_449], %get3A_452 : memref<4x5x8x129xf32, #tpu.memory_space<vmem>>[vector<16xi32>, vector<16xi32>, vector<16xi32>, vector<16xi32>], vector<16xf32>,
        tpu.vector_store_idx %arg8[%add3A_30, %broadcast_in_dim3A_432, %select_n3A_50, %broadcast_in_dim3A_449], %get3A_455 : memref<4x5x8x129xf32, #tpu.memory_space<vmem>>[vector<16xi32>, vector<16xi32>, vector<16xi32>, vector<16xi32>], vector<16xf32>,
        %mul3A_456 = arith.constant 8 : i32
        %mul3A_457 = arith.muli %scan3A_197, %mul3A_456 : i32
        %add3A_458 = arith.constant 5 : i32
        %add3A_459 = arith.addi %mul3A_457, %add3A_458 : i32
        %jit3A_460 = arith.constant 128 : i32
        %div3A_461 = arith.divsi %add3A_459, %jit3A_460 : i32
        %sign3A_462 = arith.constant 0 : i32
        %sign3A_463 = arith.cmpi sgt, %add3A_459, %sign3A_462 : i32
        %sign3A_464 = arith.extui %sign3A_463 : i1 to i32
        %sign3A_465 = arith.constant 0 : i32
        %sign3A_466 = arith.cmpi slt, %add3A_459, %sign3A_465 : i32
        %sign3A_467 = arith.extui %sign3A_466 : i1 to i32
        %sign3A_468 = arith.subi %sign3A_464, %sign3A_467 : i32
        %sign3A_469 = arith.constant 0 : i32
        %sign3A_470 = arith.cmpi sgt, %jit3A_460, %sign3A_469 : i32
        %sign3A_471 = arith.extui %sign3A_470 : i1 to i32
        %sign3A_472 = arith.constant 0 : i32
        %sign3A_473 = arith.cmpi slt, %jit3A_460, %sign3A_472 : i32
        %sign3A_474 = arith.extui %sign3A_473 : i1 to i32
        %sign3A_475 = arith.subi %sign3A_471, %sign3A_474 : i32
        %ne3A_476 = arith.cmpi ne, %sign3A_468, %sign3A_475 : i32
        %rem3A_477 = arith.remsi %add3A_459, %jit3A_460 : i32
        %ne3A_478 = arith.constant 0 : i32
        %ne3A_479 = arith.cmpi ne, %rem3A_477, %ne3A_478 : i32
        %and3A_480 = arith.andi %ne3A_476, %ne3A_479 : i1
        %sub3A_481 = arith.constant 1 : i32
        %sub3A_482 = arith.subi %div3A_461, %sub3A_481 : i32
        %select_n3A_483 = arith.select %and3A_480, %sub3A_482, %div3A_461 : i32
        %broadcast_in_dim3A_484 = vector.broadcast %select_n3A_483 : i32 to vector<16xi32>
        %jit3A_485 = arith.constant 128 : i32
        %eq3A_486 = arith.constant 0 : i32
        %eq3A_487 = arith.cmpi eq, %jit3A_485, %eq3A_486 : i32
        %jit3A_488 = arith.constant 1 : i32
        %select_n3A_489 = arith.select %eq3A_487, %jit3A_488, %jit3A_485 : i32
        %rem3A_490 = arith.remsi %add3A_459, %select_n3A_489 : i32
        %ne3A_491 = arith.constant 0 : i32
        %ne3A_492 = arith.cmpi ne, %rem3A_490, %ne3A_491 : i32
        %lt3A_493 = arith.constant 0 : i32
        %lt3A_494 = arith.cmpi slt, %rem3A_490, %lt3A_493 : i32
        %lt3A_495 = arith.constant 0 : i32
        %lt3A_496 = arith.cmpi slt, %select_n3A_489, %lt3A_495 : i32
        %ne3A_497 = arith.xori %lt3A_494, %lt3A_496 : i1
        %and3A_498 = arith.andi %ne3A_497, %ne3A_492 : i1
        %add3A_499 = arith.addi %rem3A_490, %select_n3A_489 : i32
        %select_n3A_500 = arith.select %and3A_498, %add3A_499, %rem3A_490 : i32
        %broadcast_in_dim3A_501 = vector.broadcast %select_n3A_500 : i32 to vector<16xi32>
        %get3A_502 = arith.index_cast %add3A_459 : i32 to index
        %get3A_503 = arith.constant 0 : index
        %get3A_504 = tpu.vector_load %arg6[%get3A_502, %get3A_503] {strides = array<i32>} : memref<512x32xf32, #tpu.memory_space<vmem>>, vector<16xf32>,
        %get3A_505 = arith.index_cast %add3A_459 : i32 to index
        %get3A_506 = arith.constant 16 : index
        %get3A_507 = tpu.vector_load %arg6[%get3A_505, %get3A_506] {strides = array<i32>} : memref<512x32xf32, #tpu.memory_space<vmem>>, vector<16xf32>,
        tpu.vector_store_idx %arg8[%select_n3A, %broadcast_in_dim3A_484, %select_n3A_50, %broadcast_in_dim3A_501], %get3A_504 : memref<4x5x8x129xf32, #tpu.memory_space<vmem>>[vector<16xi32>, vector<16xi32>, vector<16xi32>, vector<16xi32>], vector<16xf32>,
        tpu.vector_store_idx %arg8[%add3A_30, %broadcast_in_dim3A_484, %select_n3A_50, %broadcast_in_dim3A_501], %get3A_507 : memref<4x5x8x129xf32, #tpu.memory_space<vmem>>[vector<16xi32>, vector<16xi32>, vector<16xi32>, vector<16xi32>], vector<16xf32>,
        %mul3A_508 = arith.constant 8 : i32
        %mul3A_509 = arith.muli %scan3A_197, %mul3A_508 : i32
        %add3A_510 = arith.constant 6 : i32
        %add3A_511 = arith.addi %mul3A_509, %add3A_510 : i32
        %jit3A_512 = arith.constant 128 : i32
        %div3A_513 = arith.divsi %add3A_511, %jit3A_512 : i32
        %sign3A_514 = arith.constant 0 : i32
        %sign3A_515 = arith.cmpi sgt, %add3A_511, %sign3A_514 : i32
        %sign3A_516 = arith.extui %sign3A_515 : i1 to i32
        %sign3A_517 = arith.constant 0 : i32
        %sign3A_518 = arith.cmpi slt, %add3A_511, %sign3A_517 : i32
        %sign3A_519 = arith.extui %sign3A_518 : i1 to i32
        %sign3A_520 = arith.subi %sign3A_516, %sign3A_519 : i32
        %sign3A_521 = arith.constant 0 : i32
        %sign3A_522 = arith.cmpi sgt, %jit3A_512, %sign3A_521 : i32
        %sign3A_523 = arith.extui %sign3A_522 : i1 to i32
        %sign3A_524 = arith.constant 0 : i32
        %sign3A_525 = arith.cmpi slt, %jit3A_512, %sign3A_524 : i32
        %sign3A_526 = arith.extui %sign3A_525 : i1 to i32
        %sign3A_527 = arith.subi %sign3A_523, %sign3A_526 : i32
        %ne3A_528 = arith.cmpi ne, %sign3A_520, %sign3A_527 : i32
        %rem3A_529 = arith.remsi %add3A_511, %jit3A_512 : i32
        %ne3A_530 = arith.constant 0 : i32
        %ne3A_531 = arith.cmpi ne, %rem3A_529, %ne3A_530 : i32
        %and3A_532 = arith.andi %ne3A_528, %ne3A_531 : i1
        %sub3A_533 = arith.constant 1 : i32
        %sub3A_534 = arith.subi %div3A_513, %sub3A_533 : i32
        %select_n3A_535 = arith.select %and3A_532, %sub3A_534, %div3A_513 : i32
        %broadcast_in_dim3A_536 = vector.broadcast %select_n3A_535 : i32 to vector<16xi32>
        %jit3A_537 = arith.constant 128 : i32
        %eq3A_538 = arith.constant 0 : i32
        %eq3A_539 = arith.cmpi eq, %jit3A_537, %eq3A_538 : i32
        %jit3A_540 = arith.constant 1 : i32
        %select_n3A_541 = arith.select %eq3A_539, %jit3A_540, %jit3A_537 : i32
        %rem3A_542 = arith.remsi %add3A_511, %select_n3A_541 : i32
        %ne3A_543 = arith.constant 0 : i32
        %ne3A_544 = arith.cmpi ne, %rem3A_542, %ne3A_543 : i32
        %lt3A_545 = arith.constant 0 : i32
        %lt3A_546 = arith.cmpi slt, %rem3A_542, %lt3A_545 : i32
        %lt3A_547 = arith.constant 0 : i32
        %lt3A_548 = arith.cmpi slt, %select_n3A_541, %lt3A_547 : i32
        %ne3A_549 = arith.xori %lt3A_546, %lt3A_548 : i1
        %and3A_550 = arith.andi %ne3A_549, %ne3A_544 : i1
        %add3A_551 = arith.addi %rem3A_542, %select_n3A_541 : i32
        %select_n3A_552 = arith.select %and3A_550, %add3A_551, %rem3A_542 : i32
        %broadcast_in_dim3A_553 = vector.broadcast %select_n3A_552 : i32 to vector<16xi32>
        %get3A_554 = arith.index_cast %add3A_511 : i32 to index
        %get3A_555 = arith.constant 0 : index
        %get3A_556 = tpu.vector_load %arg6[%get3A_554, %get3A_555] {strides = array<i32>} : memref<512x32xf32, #tpu.memory_space<vmem>>, vector<16xf32>,
        %get3A_557 = arith.index_cast %add3A_511 : i32 to index
        %get3A_558 = arith.constant 16 : index
        %get3A_559 = tpu.vector_load %arg6[%get3A_557, %get3A_558] {strides = array<i32>} : memref<512x32xf32, #tpu.memory_space<vmem>>, vector<16xf32>,
        tpu.vector_store_idx %arg8[%select_n3A, %broadcast_in_dim3A_536, %select_n3A_50, %broadcast_in_dim3A_553], %get3A_556 : memref<4x5x8x129xf32, #tpu.memory_space<vmem>>[vector<16xi32>, vector<16xi32>, vector<16xi32>, vector<16xi32>], vector<16xf32>,
        tpu.vector_store_idx %arg8[%add3A_30, %broadcast_in_dim3A_536, %select_n3A_50, %broadcast_in_dim3A_553], %get3A_559 : memref<4x5x8x129xf32, #tpu.memory_space<vmem>>[vector<16xi32>, vector<16xi32>, vector<16xi32>, vector<16xi32>], vector<16xf32>,
        %mul3A_560 = arith.constant 8 : i32
        %mul3A_561 = arith.muli %scan3A_197, %mul3A_560 : i32
        %add3A_562 = arith.constant 7 : i32
        %add3A_563 = arith.addi %mul3A_561, %add3A_562 : i32
        %jit3A_564 = arith.constant 128 : i32
        %div3A_565 = arith.divsi %add3A_563, %jit3A_564 : i32
        %sign3A_566 = arith.constant 0 : i32
        %sign3A_567 = arith.cmpi sgt, %add3A_563, %sign3A_566 : i32
        %sign3A_568 = arith.extui %sign3A_567 : i1 to i32
        %sign3A_569 = arith.constant 0 : i32
        %sign3A_570 = arith.cmpi slt, %add3A_563, %sign3A_569 : i32
        %sign3A_571 = arith.extui %sign3A_570 : i1 to i32
        %sign3A_572 = arith.subi %sign3A_568, %sign3A_571 : i32
        %sign3A_573 = arith.constant 0 : i32
        %sign3A_574 = arith.cmpi sgt, %jit3A_564, %sign3A_573 : i32
        %sign3A_575 = arith.extui %sign3A_574 : i1 to i32
        %sign3A_576 = arith.constant 0 : i32
        %sign3A_577 = arith.cmpi slt, %jit3A_564, %sign3A_576 : i32
        %sign3A_578 = arith.extui %sign3A_577 : i1 to i32
        %sign3A_579 = arith.subi %sign3A_575, %sign3A_578 : i32
        %ne3A_580 = arith.cmpi ne, %sign3A_572, %sign3A_579 : i32
        %rem3A_581 = arith.remsi %add3A_563, %jit3A_564 : i32
        %ne3A_582 = arith.constant 0 : i32
        %ne3A_583 = arith.cmpi ne, %rem3A_581, %ne3A_582 : i32
        %and3A_584 = arith.andi %ne3A_580, %ne3A_583 : i1
        %sub3A_585 = arith.constant 1 : i32
        %sub3A_586 = arith.subi %div3A_565, %sub3A_585 : i32
        %select_n3A_587 = arith.select %and3A_584, %sub3A_586, %div3A_565 : i32
        %broadcast_in_dim3A_588 = vector.broadcast %select_n3A_587 : i32 to vector<16xi32>
        %jit3A_589 = arith.constant 128 : i32
        %eq3A_590 = arith.constant 0 : i32
        %eq3A_591 = arith.cmpi eq, %jit3A_589, %eq3A_590 : i32
        %jit3A_592 = arith.constant 1 : i32
        %select_n3A_593 = arith.select %eq3A_591, %jit3A_592, %jit3A_589 : i32
        %rem3A_594 = arith.remsi %add3A_563, %select_n3A_593 : i32
        %ne3A_595 = arith.constant 0 : i32
        %ne3A_596 = arith.cmpi ne, %rem3A_594, %ne3A_595 : i32
        %lt3A_597 = arith.constant 0 : i32
        %lt3A_598 = arith.cmpi slt, %rem3A_594, %lt3A_597 : i32
        %lt3A_599 = arith.constant 0 : i32
        %lt3A_600 = arith.cmpi slt, %select_n3A_593, %lt3A_599 : i32
        %ne3A_601 = arith.xori %lt3A_598, %lt3A_600 : i1
        %and3A_602 = arith.andi %ne3A_601, %ne3A_596 : i1
        %add3A_603 = arith.addi %rem3A_594, %select_n3A_593 : i32
        %select_n3A_604 = arith.select %and3A_602, %add3A_603, %rem3A_594 : i32
        %broadcast_in_dim3A_605 = vector.broadcast %select_n3A_604 : i32 to vector<16xi32>
        %get3A_606 = arith.index_cast %add3A_563 : i32 to index
        %get3A_607 = arith.constant 0 : index
        %get3A_608 = tpu.vector_load %arg6[%get3A_606, %get3A_607] {strides = array<i32>} : memref<512x32xf32, #tpu.memory_space<vmem>>, vector<16xf32>,
        %get3A_609 = arith.index_cast %add3A_563 : i32 to index
        %get3A_610 = arith.constant 16 : index
        %get3A_611 = tpu.vector_load %arg6[%get3A_609, %get3A_610] {strides = array<i32>} : memref<512x32xf32, #tpu.memory_space<vmem>>, vector<16xf32>,
        tpu.vector_store_idx %arg8[%select_n3A, %broadcast_in_dim3A_588, %select_n3A_50, %broadcast_in_dim3A_605], %get3A_608 : memref<4x5x8x129xf32, #tpu.memory_space<vmem>>[vector<16xi32>, vector<16xi32>, vector<16xi32>, vector<16xi32>], vector<16xf32>,
        tpu.vector_store_idx %arg8[%add3A_30, %broadcast_in_dim3A_588, %select_n3A_50, %broadcast_in_dim3A_605], %get3A_611 : memref<4x5x8x129xf32, #tpu.memory_space<vmem>>[vector<16xi32>, vector<16xi32>, vector<16xi32>, vector<16xi32>], vector<16xf32>,
      }
      %scan3A_128 = arith.constant 64 : i32
      %dma_start3A_129 = arith.constant 0 : i32
      %dma_start3A_130 = arith.constant 0 : i32
      %dma_start3A_131 = arith.constant 0 : i32
      %dma_start3A_132 = arith.constant 0 : i32
      %dma_start3A_133 = tpu.memref_slice %arg8[%dma_start3A_129, %dma_start3A_130, %dma_start3A_131, %dma_start3A_132] : memref<4x5x8x129xf32, #tpu.memory_space<vmem>> -> memref<4x4x8x128xf32, #tpu.memory_space<vmem>>
      %dma_start3A_134 = arith.constant 0 : i32
      %dma_start3A_135 = arith.constant 0 : i32
      %dma_start3A_136 = arith.constant 0 : i32
      %dma_start3A_137 = tpu.memref_slice %arg4[%add3A_107, %dma_start3A_134, %mul3A_4, %dma_start3A_135, %dma_start3A_136] : memref<50x4x128x8x128xf32, #tpu.memory_space<hbm>> -> memref<1x4x4x8x128xf32, #tpu.memory_space<hbm>>
      %dma_start3A_138 = tpu.memref_squeeze %dma_start3A_137 : memref<1x4x4x8x128xf32, #tpu.memory_space<hbm>> -> memref<4x4x8x128xf32, #tpu.memory_space<hbm>>
      %dma_start3A_139 = arith.constant 0 : i32
      %dma_start3A_140 = arith.constant 0 : i32
      %dma_start3A_141 = arith.constant 0 : i32
      %dma_start3A_142 = tpu.memref_slice %arg4[%add3A_107, %dma_start3A_139, %mul3A_4, %dma_start3A_140, %dma_start3A_141] : memref<50x4x128x8x128xf32, #tpu.memory_space<hbm>> -> memref<1x4x4x8x128xf32, #tpu.memory_space<hbm>>
      %dma_start3A_143 = tpu.memref_squeeze %dma_start3A_142 : memref<1x4x4x8x128xf32, #tpu.memory_space<hbm>> -> memref<4x4x8x128xf32, #tpu.memory_space<hbm>>
      %dma_start3A_144 = arith.constant 0 : i32
      %dma_start3A_145 = arith.constant 0 : i32
      %dma_start3A_146 = arith.constant 0 : i32
      %dma_start3A_147 = arith.constant 0 : i32
      %dma_start3A_148 = tpu.memref_slice %arg8[%dma_start3A_144, %dma_start3A_145, %dma_start3A_146, %dma_start3A_147] : memref<4x5x8x129xf32, #tpu.memory_space<vmem>> -> memref<4x4x8x128xf32, #tpu.memory_space<vmem>>
      tpu.enqueue_dma source(%dma_start3A_148 : memref<4x4x8x128xf32, #tpu.memory_space<vmem>>) target(%dma_start3A_143 : memref<4x4x8x128xf32, #tpu.memory_space<hbm>>) target_semaphore(%arg12 : memref<!tpu.dma_semaphore, #tpu.memory_space<semaphore_mem>>)
      %mul3A_149 = arith.constant 2 : i32
      %mul3A_150 = arith.muli %mul3A_149, %scan3A_103 : i32
      %add3A_151 = arith.constant 1 : i32
      %add3A_152 = arith.addi %mul3A_150, %add3A_151 : i32
      %ge3A_153 = arith.constant 2 : i32
      %ge3A_154 = arith.cmpi sge, %add3A_152, %ge3A_153 : i32
      %convert_element_type3A_155 = arith.extui %ge3A_154 : i1 to i32
      %cond3A_156 = arith.constant 0 : i32
      %cond3A_157 = arith.cmpi ne, %convert_element_type3A_155, %cond3A_156 : i32
      scf.if %cond3A_157 {
        %sub3A_197 = arith.constant 2 : i32
        %sub3A_198 = arith.subi %add3A_152, %sub3A_197 : i32
        %dma_wait3A_199 = arith.constant 0 : i32
        %dma_wait3A_200 = arith.constant 0 : i32
        %dma_wait3A_201 = arith.constant 0 : i32
        %dma_wait3A_202 = arith.constant 0 : i32
        %dma_wait3A_203 = tpu.memref_slice %arg9[%dma_wait3A_199, %dma_wait3A_200, %dma_wait3A_201, %dma_wait3A_202] : memref<4x5x8x129xf32, #tpu.memory_space<vmem>> -> memref<4x4x8x128xf32, #tpu.memory_space<vmem>>
        %dma_wait3A_204 = arith.constant 0 : i32
        %dma_wait3A_205 = arith.constant 0 : i32
        %dma_wait3A_206 = arith.constant 0 : i32
        %dma_wait3A_207 = tpu.memref_slice %arg4[%sub3A_198, %dma_wait3A_204, %mul3A_4, %dma_wait3A_205, %dma_wait3A_206] : memref<50x4x128x8x128xf32, #tpu.memory_space<hbm>> -> memref<1x4x4x8x128xf32, #tpu.memory_space<hbm>>
        %dma_wait3A_208 = tpu.memref_squeeze %dma_wait3A_207 : memref<1x4x4x8x128xf32, #tpu.memory_space<hbm>> -> memref<4x4x8x128xf32, #tpu.memory_space<hbm>>
        %dma_wait3A_209 = arith.constant 0 : i32
        %dma_wait3A_210 = arith.constant 0 : i32
        %dma_wait3A_211 = arith.constant 0 : i32
        %dma_wait3A_212 = tpu.memref_slice %arg4[%sub3A_198, %dma_wait3A_209, %mul3A_4, %dma_wait3A_210, %dma_wait3A_211] : memref<50x4x128x8x128xf32, #tpu.memory_space<hbm>> -> memref<1x4x4x8x128xf32, #tpu.memory_space<hbm>>
        %dma_wait3A_213 = tpu.memref_squeeze %dma_wait3A_212 : memref<1x4x4x8x128xf32, #tpu.memory_space<hbm>> -> memref<4x4x8x128xf32, #tpu.memory_space<hbm>>
        %dma_wait3A_214 = arith.constant 0 : i32
        %dma_wait3A_215 = arith.constant 0 : i32
        %dma_wait3A_216 = arith.constant 0 : i32
        %dma_wait3A_217 = arith.constant 0 : i32
        %dma_wait3A_218 = tpu.memref_slice %arg9[%dma_wait3A_214, %dma_wait3A_215, %dma_wait3A_216, %dma_wait3A_217] : memref<4x5x8x129xf32, #tpu.memory_space<vmem>> -> memref<4x4x8x128xf32, #tpu.memory_space<vmem>>
        tpu.wait_dma2 semaphore(%arg13 : memref<!tpu.dma_semaphore, #tpu.memory_space<semaphore_mem>>) src(%dma_wait3A_218 : memref<4x4x8x128xf32, #tpu.memory_space<vmem>>) dst(%dma_wait3A_213 : memref<4x4x8x128xf32, #tpu.memory_space<hbm>>)
      } else {
      }
      %dma_wait3A_158 = arith.constant 0 : i32
      %dma_wait3A_159 = tpu.memref_slice %arg5[%add3A_152, %dma_wait3A_158] : memref<50x512xi32, #tpu.memory_space<vmem>> -> memref<1x512xi32, #tpu.memory_space<vmem>>
      %dma_wait3A_160 = tpu.memref_squeeze %dma_wait3A_159 : memref<1x512xi32, #tpu.memory_space<vmem>> -> memref<512xi32, #tpu.memory_space<vmem>>
      %dma_wait3A_161 = arith.constant 0 : i32
      %dma_wait3A_162 = arith.constant 0 : i32
      %dma_wait3A_163 = tpu.memref_slice %arg3[%dma_wait3A_161, %dma_wait3A_162] : memref<1000000x32xf32, #tpu.memory_space<hbm>> -> memref<1000000x32xf32, #tpu.memory_space<hbm>>
      tpu.wait_indirect_dma semaphore(%arg11 : memref<!tpu.dma_semaphore, #tpu.memory_space<semaphore_mem>>) src(%dma_wait3A_163 : memref<1000000x32xf32, #tpu.memory_space<hbm>>) dst(%arg7 : memref<512x32xf32, #tpu.memory_space<vmem>>)
      %add3A_164 = arith.constant 1 : i32
      %add3A_165 = arith.addi %add3A_152, %add3A_164 : i32
      %lt3A_166 = arith.constant 50 : i32
      %lt3A_167 = arith.cmpi slt, %add3A_165, %lt3A_166 : i32
      %convert_element_type3A_168 = arith.extui %lt3A_167 : i1 to i32
      %cond3A_169 = arith.constant 0 : i32
      %cond3A_170 = arith.cmpi ne, %convert_element_type3A_168, %cond3A_169 : i32
      scf.if %cond3A_170 {
        %add3A_197 = arith.constant 1 : i32
        %add3A_198 = arith.addi %add3A_152, %add3A_197 : i32
        %dma_start3A_199 = arith.constant 0 : i32
        %dma_start3A_200 = tpu.memref_slice %arg5[%add3A_198, %dma_start3A_199] : memref<50x512xi32, #tpu.memory_space<vmem>> -> memref<1x512xi32, #tpu.memory_space<vmem>>
        %dma_start3A_201 = tpu.memref_squeeze %dma_start3A_200 : memref<1x512xi32, #tpu.memory_space<vmem>> -> memref<512xi32, #tpu.memory_space<vmem>>
        %dma_start3A_202 = arith.constant 0 : i32
        %dma_start3A_203 = arith.constant 0 : i32
        %dma_start3A_204 = tpu.memref_slice %arg3[%dma_start3A_202, %dma_start3A_203] : memref<1000000x32xf32, #tpu.memory_space<hbm>> -> memref<1000000x32xf32, #tpu.memory_space<hbm>>
        tpu.enqueue_indirect_dma source(%dma_start3A_204 : memref<1000000x32xf32, #tpu.memory_space<hbm>>) target(%arg6 : memref<512x32xf32, #tpu.memory_space<vmem>>) offsets(%dma_start3A_201 : memref<512xi32, #tpu.memory_space<vmem>>) semaphore(%arg10 : memref<!tpu.dma_semaphore, #tpu.memory_space<semaphore_mem>>)
      } else {
      }
      %scan3A_171 = arith.constant 0 : i32
      %scan3A_172 = arith.constant 0 : i32
      %scan3A_173 = arith.constant 64 : i32
      %scan3A_174 = arith.addi %scan3A_172, %scan3A_173 : i32
      %scan3A_175 = arith.constant 1 : i32
      scf.for %scan3A_197 = %scan3A_172 to %scan3A_174 step %scan3A_175  : i32 {
        %mul3A_198 = arith.constant 8 : i32
        %mul3A_199 = arith.muli %scan3A_197, %mul3A_198 : i32
        %add3A_200 = arith.constant 0 : i32
        %add3A_201 = arith.addi %mul3A_199, %add3A_200 : i32
        %jit3A_202 = arith.constant 128 : i32
        %div3A_203 = arith.divsi %add3A_201, %jit3A_202 : i32
        %sign3A_204 = arith.constant 0 : i32
        %sign3A_205 = arith.cmpi sgt, %add3A_201, %sign3A_204 : i32
        %sign3A_206 = arith.extui %sign3A_205 : i1 to i32
        %sign3A_207 = arith.constant 0 : i32
        %sign3A_208 = arith.cmpi slt, %add3A_201, %sign3A_207 : i32
        %sign3A_209 = arith.extui %sign3A_208 : i1 to i32
        %sign3A_210 = arith.subi %sign3A_206, %sign3A_209 : i32
        %sign3A_211 = arith.constant 0 : i32
        %sign3A_212 = arith.cmpi sgt, %jit3A_202, %sign3A_211 : i32
        %sign3A_213 = arith.extui %sign3A_212 : i1 to i32
        %sign3A_214 = arith.constant 0 : i32
        %sign3A_215 = arith.cmpi slt, %jit3A_202, %sign3A_214 : i32
        %sign3A_216 = arith.extui %sign3A_215 : i1 to i32
        %sign3A_217 = arith.subi %sign3A_213, %sign3A_216 : i32
        %ne3A_218 = arith.cmpi ne, %sign3A_210, %sign3A_217 : i32
        %rem3A_219 = arith.remsi %add3A_201, %jit3A_202 : i32
        %ne3A_220 = arith.constant 0 : i32
        %ne3A_221 = arith.cmpi ne, %rem3A_219, %ne3A_220 : i32
        %and3A_222 = arith.andi %ne3A_218, %ne3A_221 : i1
        %sub3A_223 = arith.constant 1 : i32
        %sub3A_224 = arith.subi %div3A_203, %sub3A_223 : i32
        %select_n3A_225 = arith.select %and3A_222, %sub3A_224, %div3A_203 : i32
        %broadcast_in_dim3A = vector.broadcast %select_n3A_225 : i32 to vector<16xi32>
        %jit3A_226 = arith.constant 128 : i32
        %eq3A_227 = arith.constant 0 : i32
        %eq3A_228 = arith.cmpi eq, %jit3A_226, %eq3A_227 : i32
        %jit3A_229 = arith.constant 1 : i32
        %select_n3A_230 = arith.select %eq3A_228, %jit3A_229, %jit3A_226 : i32
        %rem3A_231 = arith.remsi %add3A_201, %select_n3A_230 : i32
        %ne3A_232 = arith.constant 0 : i32
        %ne3A_233 = arith.cmpi ne, %rem3A_231, %ne3A_232 : i32
        %lt3A_234 = arith.constant 0 : i32
        %lt3A_235 = arith.cmpi slt, %rem3A_231, %lt3A_234 : i32
        %lt3A_236 = arith.constant 0 : i32
        %lt3A_237 = arith.cmpi slt, %select_n3A_230, %lt3A_236 : i32
        %ne3A_238 = arith.xori %lt3A_235, %lt3A_237 : i1
        %and3A_239 = arith.andi %ne3A_238, %ne3A_233 : i1
        %add3A_240 = arith.addi %rem3A_231, %select_n3A_230 : i32
        %select_n3A_241 = arith.select %and3A_239, %add3A_240, %rem3A_231 : i32
        %broadcast_in_dim3A_242 = vector.broadcast %select_n3A_241 : i32 to vector<16xi32>
        %get3A = arith.index_cast %add3A_201 : i32 to index
        %get3A_243 = arith.constant 0 : index
        %get3A_244 = tpu.vector_load %arg7[%get3A, %get3A_243] {strides = array<i32>} : memref<512x32xf32, #tpu.memory_space<vmem>>, vector<16xf32>,
        %get3A_245 = arith.index_cast %add3A_201 : i32 to index
        %get3A_246 = arith.constant 16 : index
        %get3A_247 = tpu.vector_load %arg7[%get3A_245, %get3A_246] {strides = array<i32>} : memref<512x32xf32, #tpu.memory_space<vmem>>, vector<16xf32>,
        tpu.vector_store_idx %arg9[%select_n3A, %broadcast_in_dim3A, %select_n3A_50, %broadcast_in_dim3A_242], %get3A_244 : memref<4x5x8x129xf32, #tpu.memory_space<vmem>>[vector<16xi32>, vector<16xi32>, vector<16xi32>, vector<16xi32>], vector<16xf32>,
        tpu.vector_store_idx %arg9[%add3A_30, %broadcast_in_dim3A, %select_n3A_50, %broadcast_in_dim3A_242], %get3A_247 : memref<4x5x8x129xf32, #tpu.memory_space<vmem>>[vector<16xi32>, vector<16xi32>, vector<16xi32>, vector<16xi32>], vector<16xf32>,
        %mul3A_248 = arith.constant 8 : i32
        %mul3A_249 = arith.muli %scan3A_197, %mul3A_248 : i32
        %add3A_250 = arith.constant 1 : i32
        %add3A_251 = arith.addi %mul3A_249, %add3A_250 : i32
        %jit3A_252 = arith.constant 128 : i32
        %div3A_253 = arith.divsi %add3A_251, %jit3A_252 : i32
        %sign3A_254 = arith.constant 0 : i32
        %sign3A_255 = arith.cmpi sgt, %add3A_251, %sign3A_254 : i32
        %sign3A_256 = arith.extui %sign3A_255 : i1 to i32
        %sign3A_257 = arith.constant 0 : i32
        %sign3A_258 = arith.cmpi slt, %add3A_251, %sign3A_257 : i32
        %sign3A_259 = arith.extui %sign3A_258 : i1 to i32
        %sign3A_260 = arith.subi %sign3A_256, %sign3A_259 : i32
        %sign3A_261 = arith.constant 0 : i32
        %sign3A_262 = arith.cmpi sgt, %jit3A_252, %sign3A_261 : i32
        %sign3A_263 = arith.extui %sign3A_262 : i1 to i32
        %sign3A_264 = arith.constant 0 : i32
        %sign3A_265 = arith.cmpi slt, %jit3A_252, %sign3A_264 : i32
        %sign3A_266 = arith.extui %sign3A_265 : i1 to i32
        %sign3A_267 = arith.subi %sign3A_263, %sign3A_266 : i32
        %ne3A_268 = arith.cmpi ne, %sign3A_260, %sign3A_267 : i32
        %rem3A_269 = arith.remsi %add3A_251, %jit3A_252 : i32
        %ne3A_270 = arith.constant 0 : i32
        %ne3A_271 = arith.cmpi ne, %rem3A_269, %ne3A_270 : i32
        %and3A_272 = arith.andi %ne3A_268, %ne3A_271 : i1
        %sub3A_273 = arith.constant 1 : i32
        %sub3A_274 = arith.subi %div3A_253, %sub3A_273 : i32
        %select_n3A_275 = arith.select %and3A_272, %sub3A_274, %div3A_253 : i32
        %broadcast_in_dim3A_276 = vector.broadcast %select_n3A_275 : i32 to vector<16xi32>
        %jit3A_277 = arith.constant 128 : i32
        %eq3A_278 = arith.constant 0 : i32
        %eq3A_279 = arith.cmpi eq, %jit3A_277, %eq3A_278 : i32
        %jit3A_280 = arith.constant 1 : i32
        %select_n3A_281 = arith.select %eq3A_279, %jit3A_280, %jit3A_277 : i32
        %rem3A_282 = arith.remsi %add3A_251, %select_n3A_281 : i32
        %ne3A_283 = arith.constant 0 : i32
        %ne3A_284 = arith.cmpi ne, %rem3A_282, %ne3A_283 : i32
        %lt3A_285 = arith.constant 0 : i32
        %lt3A_286 = arith.cmpi slt, %rem3A_282, %lt3A_285 : i32
        %lt3A_287 = arith.constant 0 : i32
        %lt3A_288 = arith.cmpi slt, %select_n3A_281, %lt3A_287 : i32
        %ne3A_289 = arith.xori %lt3A_286, %lt3A_288 : i1
        %and3A_290 = arith.andi %ne3A_289, %ne3A_284 : i1
        %add3A_291 = arith.addi %rem3A_282, %select_n3A_281 : i32
        %select_n3A_292 = arith.select %and3A_290, %add3A_291, %rem3A_282 : i32
        %broadcast_in_dim3A_293 = vector.broadcast %select_n3A_292 : i32 to vector<16xi32>
        %get3A_294 = arith.index_cast %add3A_251 : i32 to index
        %get3A_295 = arith.constant 0 : index
        %get3A_296 = tpu.vector_load %arg7[%get3A_294, %get3A_295] {strides = array<i32>} : memref<512x32xf32, #tpu.memory_space<vmem>>, vector<16xf32>,
        %get3A_297 = arith.index_cast %add3A_251 : i32 to index
        %get3A_298 = arith.constant 16 : index
        %get3A_299 = tpu.vector_load %arg7[%get3A_297, %get3A_298] {strides = array<i32>} : memref<512x32xf32, #tpu.memory_space<vmem>>, vector<16xf32>,
        tpu.vector_store_idx %arg9[%select_n3A, %broadcast_in_dim3A_276, %select_n3A_50, %broadcast_in_dim3A_293], %get3A_296 : memref<4x5x8x129xf32, #tpu.memory_space<vmem>>[vector<16xi32>, vector<16xi32>, vector<16xi32>, vector<16xi32>], vector<16xf32>,
        tpu.vector_store_idx %arg9[%add3A_30, %broadcast_in_dim3A_276, %select_n3A_50, %broadcast_in_dim3A_293], %get3A_299 : memref<4x5x8x129xf32, #tpu.memory_space<vmem>>[vector<16xi32>, vector<16xi32>, vector<16xi32>, vector<16xi32>], vector<16xf32>,
        %mul3A_300 = arith.constant 8 : i32
        %mul3A_301 = arith.muli %scan3A_197, %mul3A_300 : i32
        %add3A_302 = arith.constant 2 : i32
        %add3A_303 = arith.addi %mul3A_301, %add3A_302 : i32
        %jit3A_304 = arith.constant 128 : i32
        %div3A_305 = arith.divsi %add3A_303, %jit3A_304 : i32
        %sign3A_306 = arith.constant 0 : i32
        %sign3A_307 = arith.cmpi sgt, %add3A_303, %sign3A_306 : i32
        %sign3A_308 = arith.extui %sign3A_307 : i1 to i32
        %sign3A_309 = arith.constant 0 : i32
        %sign3A_310 = arith.cmpi slt, %add3A_303, %sign3A_309 : i32
        %sign3A_311 = arith.extui %sign3A_310 : i1 to i32
        %sign3A_312 = arith.subi %sign3A_308, %sign3A_311 : i32
        %sign3A_313 = arith.constant 0 : i32
        %sign3A_314 = arith.cmpi sgt, %jit3A_304, %sign3A_313 : i32
        %sign3A_315 = arith.extui %sign3A_314 : i1 to i32
        %sign3A_316 = arith.constant 0 : i32
        %sign3A_317 = arith.cmpi slt, %jit3A_304, %sign3A_316 : i32
        %sign3A_318 = arith.extui %sign3A_317 : i1 to i32
        %sign3A_319 = arith.subi %sign3A_315, %sign3A_318 : i32
        %ne3A_320 = arith.cmpi ne, %sign3A_312, %sign3A_319 : i32
        %rem3A_321 = arith.remsi %add3A_303, %jit3A_304 : i32
        %ne3A_322 = arith.constant 0 : i32
        %ne3A_323 = arith.cmpi ne, %rem3A_321, %ne3A_322 : i32
        %and3A_324 = arith.andi %ne3A_320, %ne3A_323 : i1
        %sub3A_325 = arith.constant 1 : i32
        %sub3A_326 = arith.subi %div3A_305, %sub3A_325 : i32
        %select_n3A_327 = arith.select %and3A_324, %sub3A_326, %div3A_305 : i32
        %broadcast_in_dim3A_328 = vector.broadcast %select_n3A_327 : i32 to vector<16xi32>
        %jit3A_329 = arith.constant 128 : i32
        %eq3A_330 = arith.constant 0 : i32
        %eq3A_331 = arith.cmpi eq, %jit3A_329, %eq3A_330 : i32
        %jit3A_332 = arith.constant 1 : i32
        %select_n3A_333 = arith.select %eq3A_331, %jit3A_332, %jit3A_329 : i32
        %rem3A_334 = arith.remsi %add3A_303, %select_n3A_333 : i32
        %ne3A_335 = arith.constant 0 : i32
        %ne3A_336 = arith.cmpi ne, %rem3A_334, %ne3A_335 : i32
        %lt3A_337 = arith.constant 0 : i32
        %lt3A_338 = arith.cmpi slt, %rem3A_334, %lt3A_337 : i32
        %lt3A_339 = arith.constant 0 : i32
        %lt3A_340 = arith.cmpi slt, %select_n3A_333, %lt3A_339 : i32
        %ne3A_341 = arith.xori %lt3A_338, %lt3A_340 : i1
        %and3A_342 = arith.andi %ne3A_341, %ne3A_336 : i1
        %add3A_343 = arith.addi %rem3A_334, %select_n3A_333 : i32
        %select_n3A_344 = arith.select %and3A_342, %add3A_343, %rem3A_334 : i32
        %broadcast_in_dim3A_345 = vector.broadcast %select_n3A_344 : i32 to vector<16xi32>
        %get3A_346 = arith.index_cast %add3A_303 : i32 to index
        %get3A_347 = arith.constant 0 : index
        %get3A_348 = tpu.vector_load %arg7[%get3A_346, %get3A_347] {strides = array<i32>} : memref<512x32xf32, #tpu.memory_space<vmem>>, vector<16xf32>,
        %get3A_349 = arith.index_cast %add3A_303 : i32 to index
        %get3A_350 = arith.constant 16 : index
        %get3A_351 = tpu.vector_load %arg7[%get3A_349, %get3A_350] {strides = array<i32>} : memref<512x32xf32, #tpu.memory_space<vmem>>, vector<16xf32>,
        tpu.vector_store_idx %arg9[%select_n3A, %broadcast_in_dim3A_328, %select_n3A_50, %broadcast_in_dim3A_345], %get3A_348 : memref<4x5x8x129xf32, #tpu.memory_space<vmem>>[vector<16xi32>, vector<16xi32>, vector<16xi32>, vector<16xi32>], vector<16xf32>,
        tpu.vector_store_idx %arg9[%add3A_30, %broadcast_in_dim3A_328, %select_n3A_50, %broadcast_in_dim3A_345], %get3A_351 : memref<4x5x8x129xf32, #tpu.memory_space<vmem>>[vector<16xi32>, vector<16xi32>, vector<16xi32>, vector<16xi32>], vector<16xf32>,
        %mul3A_352 = arith.constant 8 : i32
        %mul3A_353 = arith.muli %scan3A_197, %mul3A_352 : i32
        %add3A_354 = arith.constant 3 : i32
        %add3A_355 = arith.addi %mul3A_353, %add3A_354 : i32
        %jit3A_356 = arith.constant 128 : i32
        %div3A_357 = arith.divsi %add3A_355, %jit3A_356 : i32
        %sign3A_358 = arith.constant 0 : i32
        %sign3A_359 = arith.cmpi sgt, %add3A_355, %sign3A_358 : i32
        %sign3A_360 = arith.extui %sign3A_359 : i1 to i32
        %sign3A_361 = arith.constant 0 : i32
        %sign3A_362 = arith.cmpi slt, %add3A_355, %sign3A_361 : i32
        %sign3A_363 = arith.extui %sign3A_362 : i1 to i32
        %sign3A_364 = arith.subi %sign3A_360, %sign3A_363 : i32
        %sign3A_365 = arith.constant 0 : i32
        %sign3A_366 = arith.cmpi sgt, %jit3A_356, %sign3A_365 : i32
        %sign3A_367 = arith.extui %sign3A_366 : i1 to i32
        %sign3A_368 = arith.constant 0 : i32
        %sign3A_369 = arith.cmpi slt, %jit3A_356, %sign3A_368 : i32
        %sign3A_370 = arith.extui %sign3A_369 : i1 to i32
        %sign3A_371 = arith.subi %sign3A_367, %sign3A_370 : i32
        %ne3A_372 = arith.cmpi ne, %sign3A_364, %sign3A_371 : i32
        %rem3A_373 = arith.remsi %add3A_355, %jit3A_356 : i32
        %ne3A_374 = arith.constant 0 : i32
        %ne3A_375 = arith.cmpi ne, %rem3A_373, %ne3A_374 : i32
        %and3A_376 = arith.andi %ne3A_372, %ne3A_375 : i1
        %sub3A_377 = arith.constant 1 : i32
        %sub3A_378 = arith.subi %div3A_357, %sub3A_377 : i32
        %select_n3A_379 = arith.select %and3A_376, %sub3A_378, %div3A_357 : i32
        %broadcast_in_dim3A_380 = vector.broadcast %select_n3A_379 : i32 to vector<16xi32>
        %jit3A_381 = arith.constant 128 : i32
        %eq3A_382 = arith.constant 0 : i32
        %eq3A_383 = arith.cmpi eq, %jit3A_381, %eq3A_382 : i32
        %jit3A_384 = arith.constant 1 : i32
        %select_n3A_385 = arith.select %eq3A_383, %jit3A_384, %jit3A_381 : i32
        %rem3A_386 = arith.remsi %add3A_355, %select_n3A_385 : i32
        %ne3A_387 = arith.constant 0 : i32
        %ne3A_388 = arith.cmpi ne, %rem3A_386, %ne3A_387 : i32
        %lt3A_389 = arith.constant 0 : i32
        %lt3A_390 = arith.cmpi slt, %rem3A_386, %lt3A_389 : i32
        %lt3A_391 = arith.constant 0 : i32
        %lt3A_392 = arith.cmpi slt, %select_n3A_385, %lt3A_391 : i32
        %ne3A_393 = arith.xori %lt3A_390, %lt3A_392 : i1
        %and3A_394 = arith.andi %ne3A_393, %ne3A_388 : i1
        %add3A_395 = arith.addi %rem3A_386, %select_n3A_385 : i32
        %select_n3A_396 = arith.select %and3A_394, %add3A_395, %rem3A_386 : i32
        %broadcast_in_dim3A_397 = vector.broadcast %select_n3A_396 : i32 to vector<16xi32>
        %get3A_398 = arith.index_cast %add3A_355 : i32 to index
        %get3A_399 = arith.constant 0 : index
        %get3A_400 = tpu.vector_load %arg7[%get3A_398, %get3A_399] {strides = array<i32>} : memref<512x32xf32, #tpu.memory_space<vmem>>, vector<16xf32>,
        %get3A_401 = arith.index_cast %add3A_355 : i32 to index
        %get3A_402 = arith.constant 16 : index
        %get3A_403 = tpu.vector_load %arg7[%get3A_401, %get3A_402] {strides = array<i32>} : memref<512x32xf32, #tpu.memory_space<vmem>>, vector<16xf32>,
        tpu.vector_store_idx %arg9[%select_n3A, %broadcast_in_dim3A_380, %select_n3A_50, %broadcast_in_dim3A_397], %get3A_400 : memref<4x5x8x129xf32, #tpu.memory_space<vmem>>[vector<16xi32>, vector<16xi32>, vector<16xi32>, vector<16xi32>], vector<16xf32>,
        tpu.vector_store_idx %arg9[%add3A_30, %broadcast_in_dim3A_380, %select_n3A_50, %broadcast_in_dim3A_397], %get3A_403 : memref<4x5x8x129xf32, #tpu.memory_space<vmem>>[vector<16xi32>, vector<16xi32>, vector<16xi32>, vector<16xi32>], vector<16xf32>,
        %mul3A_404 = arith.constant 8 : i32
        %mul3A_405 = arith.muli %scan3A_197, %mul3A_404 : i32
        %add3A_406 = arith.constant 4 : i32
        %add3A_407 = arith.addi %mul3A_405, %add3A_406 : i32
        %jit3A_408 = arith.constant 128 : i32
        %div3A_409 = arith.divsi %add3A_407, %jit3A_408 : i32
        %sign3A_410 = arith.constant 0 : i32
        %sign3A_411 = arith.cmpi sgt, %add3A_407, %sign3A_410 : i32
        %sign3A_412 = arith.extui %sign3A_411 : i1 to i32
        %sign3A_413 = arith.constant 0 : i32
        %sign3A_414 = arith.cmpi slt, %add3A_407, %sign3A_413 : i32
        %sign3A_415 = arith.extui %sign3A_414 : i1 to i32
        %sign3A_416 = arith.subi %sign3A_412, %sign3A_415 : i32
        %sign3A_417 = arith.constant 0 : i32
        %sign3A_418 = arith.cmpi sgt, %jit3A_408, %sign3A_417 : i32
        %sign3A_419 = arith.extui %sign3A_418 : i1 to i32
        %sign3A_420 = arith.constant 0 : i32
        %sign3A_421 = arith.cmpi slt, %jit3A_408, %sign3A_420 : i32
        %sign3A_422 = arith.extui %sign3A_421 : i1 to i32
        %sign3A_423 = arith.subi %sign3A_419, %sign3A_422 : i32
        %ne3A_424 = arith.cmpi ne, %sign3A_416, %sign3A_423 : i32
        %rem3A_425 = arith.remsi %add3A_407, %jit3A_408 : i32
        %ne3A_426 = arith.constant 0 : i32
        %ne3A_427 = arith.cmpi ne, %rem3A_425, %ne3A_426 : i32
        %and3A_428 = arith.andi %ne3A_424, %ne3A_427 : i1
        %sub3A_429 = arith.constant 1 : i32
        %sub3A_430 = arith.subi %div3A_409, %sub3A_429 : i32
        %select_n3A_431 = arith.select %and3A_428, %sub3A_430, %div3A_409 : i32
        %broadcast_in_dim3A_432 = vector.broadcast %select_n3A_431 : i32 to vector<16xi32>
        %jit3A_433 = arith.constant 128 : i32
        %eq3A_434 = arith.constant 0 : i32
        %eq3A_435 = arith.cmpi eq, %jit3A_433, %eq3A_434 : i32
        %jit3A_436 = arith.constant 1 : i32
        %select_n3A_437 = arith.select %eq3A_435, %jit3A_436, %jit3A_433 : i32
        %rem3A_438 = arith.remsi %add3A_407, %select_n3A_437 : i32
        %ne3A_439 = arith.constant 0 : i32
        %ne3A_440 = arith.cmpi ne, %rem3A_438, %ne3A_439 : i32
        %lt3A_441 = arith.constant 0 : i32
        %lt3A_442 = arith.cmpi slt, %rem3A_438, %lt3A_441 : i32
        %lt3A_443 = arith.constant 0 : i32
        %lt3A_444 = arith.cmpi slt, %select_n3A_437, %lt3A_443 : i32
        %ne3A_445 = arith.xori %lt3A_442, %lt3A_444 : i1
        %and3A_446 = arith.andi %ne3A_445, %ne3A_440 : i1
        %add3A_447 = arith.addi %rem3A_438, %select_n3A_437 : i32
        %select_n3A_448 = arith.select %and3A_446, %add3A_447, %rem3A_438 : i32
        %broadcast_in_dim3A_449 = vector.broadcast %select_n3A_448 : i32 to vector<16xi32>
        %get3A_450 = arith.index_cast %add3A_407 : i32 to index
        %get3A_451 = arith.constant 0 : index
        %get3A_452 = tpu.vector_load %arg7[%get3A_450, %get3A_451] {strides = array<i32>} : memref<512x32xf32, #tpu.memory_space<vmem>>, vector<16xf32>,
        %get3A_453 = arith.index_cast %add3A_407 : i32 to index
        %get3A_454 = arith.constant 16 : index
        %get3A_455 = tpu.vector_load %arg7[%get3A_453, %get3A_454] {strides = array<i32>} : memref<512x32xf32, #tpu.memory_space<vmem>>, vector<16xf32>,
        tpu.vector_store_idx %arg9[%select_n3A, %broadcast_in_dim3A_432, %select_n3A_50, %broadcast_in_dim3A_449], %get3A_452 : memref<4x5x8x129xf32, #tpu.memory_space<vmem>>[vector<16xi32>, vector<16xi32>, vector<16xi32>, vector<16xi32>], vector<16xf32>,
        tpu.vector_store_idx %arg9[%add3A_30, %broadcast_in_dim3A_432, %select_n3A_50, %broadcast_in_dim3A_449], %get3A_455 : memref<4x5x8x129xf32, #tpu.memory_space<vmem>>[vector<16xi32>, vector<16xi32>, vector<16xi32>, vector<16xi32>], vector<16xf32>,
        %mul3A_456 = arith.constant 8 : i32
        %mul3A_457 = arith.muli %scan3A_197, %mul3A_456 : i32
        %add3A_458 = arith.constant 5 : i32
        %add3A_459 = arith.addi %mul3A_457, %add3A_458 : i32
        %jit3A_460 = arith.constant 128 : i32
        %div3A_461 = arith.divsi %add3A_459, %jit3A_460 : i32
        %sign3A_462 = arith.constant 0 : i32
        %sign3A_463 = arith.cmpi sgt, %add3A_459, %sign3A_462 : i32
        %sign3A_464 = arith.extui %sign3A_463 : i1 to i32
        %sign3A_465 = arith.constant 0 : i32
        %sign3A_466 = arith.cmpi slt, %add3A_459, %sign3A_465 : i32
        %sign3A_467 = arith.extui %sign3A_466 : i1 to i32
        %sign3A_468 = arith.subi %sign3A_464, %sign3A_467 : i32
        %sign3A_469 = arith.constant 0 : i32
        %sign3A_470 = arith.cmpi sgt, %jit3A_460, %sign3A_469 : i32
        %sign3A_471 = arith.extui %sign3A_470 : i1 to i32
        %sign3A_472 = arith.constant 0 : i32
        %sign3A_473 = arith.cmpi slt, %jit3A_460, %sign3A_472 : i32
        %sign3A_474 = arith.extui %sign3A_473 : i1 to i32
        %sign3A_475 = arith.subi %sign3A_471, %sign3A_474 : i32
        %ne3A_476 = arith.cmpi ne, %sign3A_468, %sign3A_475 : i32
        %rem3A_477 = arith.remsi %add3A_459, %jit3A_460 : i32
        %ne3A_478 = arith.constant 0 : i32
        %ne3A_479 = arith.cmpi ne, %rem3A_477, %ne3A_478 : i32
        %and3A_480 = arith.andi %ne3A_476, %ne3A_479 : i1
        %sub3A_481 = arith.constant 1 : i32
        %sub3A_482 = arith.subi %div3A_461, %sub3A_481 : i32
        %select_n3A_483 = arith.select %and3A_480, %sub3A_482, %div3A_461 : i32
        %broadcast_in_dim3A_484 = vector.broadcast %select_n3A_483 : i32 to vector<16xi32>
        %jit3A_485 = arith.constant 128 : i32
        %eq3A_486 = arith.constant 0 : i32
        %eq3A_487 = arith.cmpi eq, %jit3A_485, %eq3A_486 : i32
        %jit3A_488 = arith.constant 1 : i32
        %select_n3A_489 = arith.select %eq3A_487, %jit3A_488, %jit3A_485 : i32
        %rem3A_490 = arith.remsi %add3A_459, %select_n3A_489 : i32
        %ne3A_491 = arith.constant 0 : i32
        %ne3A_492 = arith.cmpi ne, %rem3A_490, %ne3A_491 : i32
        %lt3A_493 = arith.constant 0 : i32
        %lt3A_494 = arith.cmpi slt, %rem3A_490, %lt3A_493 : i32
        %lt3A_495 = arith.constant 0 : i32
        %lt3A_496 = arith.cmpi slt, %select_n3A_489, %lt3A_495 : i32
        %ne3A_497 = arith.xori %lt3A_494, %lt3A_496 : i1
        %and3A_498 = arith.andi %ne3A_497, %ne3A_492 : i1
        %add3A_499 = arith.addi %rem3A_490, %select_n3A_489 : i32
        %select_n3A_500 = arith.select %and3A_498, %add3A_499, %rem3A_490 : i32
        %broadcast_in_dim3A_501 = vector.broadcast %select_n3A_500 : i32 to vector<16xi32>
        %get3A_502 = arith.index_cast %add3A_459 : i32 to index
        %get3A_503 = arith.constant 0 : index
        %get3A_504 = tpu.vector_load %arg7[%get3A_502, %get3A_503] {strides = array<i32>} : memref<512x32xf32, #tpu.memory_space<vmem>>, vector<16xf32>,
        %get3A_505 = arith.index_cast %add3A_459 : i32 to index
        %get3A_506 = arith.constant 16 : index
        %get3A_507 = tpu.vector_load %arg7[%get3A_505, %get3A_506] {strides = array<i32>} : memref<512x32xf32, #tpu.memory_space<vmem>>, vector<16xf32>,
        tpu.vector_store_idx %arg9[%select_n3A, %broadcast_in_dim3A_484, %select_n3A_50, %broadcast_in_dim3A_501], %get3A_504 : memref<4x5x8x129xf32, #tpu.memory_space<vmem>>[vector<16xi32>, vector<16xi32>, vector<16xi32>, vector<16xi32>], vector<16xf32>,
        tpu.vector_store_idx %arg9[%add3A_30, %broadcast_in_dim3A_484, %select_n3A_50, %broadcast_in_dim3A_501], %get3A_507 : memref<4x5x8x129xf32, #tpu.memory_space<vmem>>[vector<16xi32>, vector<16xi32>, vector<16xi32>, vector<16xi32>], vector<16xf32>,
        %mul3A_508 = arith.constant 8 : i32
        %mul3A_509 = arith.muli %scan3A_197, %mul3A_508 : i32
        %add3A_510 = arith.constant 6 : i32
        %add3A_511 = arith.addi %mul3A_509, %add3A_510 : i32
        %jit3A_512 = arith.constant 128 : i32
        %div3A_513 = arith.divsi %add3A_511, %jit3A_512 : i32
        %sign3A_514 = arith.constant 0 : i32
        %sign3A_515 = arith.cmpi sgt, %add3A_511, %sign3A_514 : i32
        %sign3A_516 = arith.extui %sign3A_515 : i1 to i32
        %sign3A_517 = arith.constant 0 : i32
        %sign3A_518 = arith.cmpi slt, %add3A_511, %sign3A_517 : i32
        %sign3A_519 = arith.extui %sign3A_518 : i1 to i32
        %sign3A_520 = arith.subi %sign3A_516, %sign3A_519 : i32
        %sign3A_521 = arith.constant 0 : i32
        %sign3A_522 = arith.cmpi sgt, %jit3A_512, %sign3A_521 : i32
        %sign3A_523 = arith.extui %sign3A_522 : i1 to i32
        %sign3A_524 = arith.constant 0 : i32
        %sign3A_525 = arith.cmpi slt, %jit3A_512, %sign3A_524 : i32
        %sign3A_526 = arith.extui %sign3A_525 : i1 to i32
        %sign3A_527 = arith.subi %sign3A_523, %sign3A_526 : i32
        %ne3A_528 = arith.cmpi ne, %sign3A_520, %sign3A_527 : i32
        %rem3A_529 = arith.remsi %add3A_511, %jit3A_512 : i32
        %ne3A_530 = arith.constant 0 : i32
        %ne3A_531 = arith.cmpi ne, %rem3A_529, %ne3A_530 : i32
        %and3A_532 = arith.andi %ne3A_528, %ne3A_531 : i1
        %sub3A_533 = arith.constant 1 : i32
        %sub3A_534 = arith.subi %div3A_513, %sub3A_533 : i32
        %select_n3A_535 = arith.select %and3A_532, %sub3A_534, %div3A_513 : i32
        %broadcast_in_dim3A_536 = vector.broadcast %select_n3A_535 : i32 to vector<16xi32>
        %jit3A_537 = arith.constant 128 : i32
        %eq3A_538 = arith.constant 0 : i32
        %eq3A_539 = arith.cmpi eq, %jit3A_537, %eq3A_538 : i32
        %jit3A_540 = arith.constant 1 : i32
        %select_n3A_541 = arith.select %eq3A_539, %jit3A_540, %jit3A_537 : i32
        %rem3A_542 = arith.remsi %add3A_511, %select_n3A_541 : i32
        %ne3A_543 = arith.constant 0 : i32
        %ne3A_544 = arith.cmpi ne, %rem3A_542, %ne3A_543 : i32
        %lt3A_545 = arith.constant 0 : i32
        %lt3A_546 = arith.cmpi slt, %rem3A_542, %lt3A_545 : i32
        %lt3A_547 = arith.constant 0 : i32
        %lt3A_548 = arith.cmpi slt, %select_n3A_541, %lt3A_547 : i32
        %ne3A_549 = arith.xori %lt3A_546, %lt3A_548 : i1
        %and3A_550 = arith.andi %ne3A_549, %ne3A_544 : i1
        %add3A_551 = arith.addi %rem3A_542, %select_n3A_541 : i32
        %select_n3A_552 = arith.select %and3A_550, %add3A_551, %rem3A_542 : i32
        %broadcast_in_dim3A_553 = vector.broadcast %select_n3A_552 : i32 to vector<16xi32>
        %get3A_554 = arith.index_cast %add3A_511 : i32 to index
        %get3A_555 = arith.constant 0 : index
        %get3A_556 = tpu.vector_load %arg7[%get3A_554, %get3A_555] {strides = array<i32>} : memref<512x32xf32, #tpu.memory_space<vmem>>, vector<16xf32>,
        %get3A_557 = arith.index_cast %add3A_511 : i32 to index
        %get3A_558 = arith.constant 16 : index
        %get3A_559 = tpu.vector_load %arg7[%get3A_557, %get3A_558] {strides = array<i32>} : memref<512x32xf32, #tpu.memory_space<vmem>>, vector<16xf32>,
        tpu.vector_store_idx %arg9[%select_n3A, %broadcast_in_dim3A_536, %select_n3A_50, %broadcast_in_dim3A_553], %get3A_556 : memref<4x5x8x129xf32, #tpu.memory_space<vmem>>[vector<16xi32>, vector<16xi32>, vector<16xi32>, vector<16xi32>], vector<16xf32>,
        tpu.vector_store_idx %arg9[%add3A_30, %broadcast_in_dim3A_536, %select_n3A_50, %broadcast_in_dim3A_553], %get3A_559 : memref<4x5x8x129xf32, #tpu.memory_space<vmem>>[vector<16xi32>, vector<16xi32>, vector<16xi32>, vector<16xi32>], vector<16xf32>,
        %mul3A_560 = arith.constant 8 : i32
        %mul3A_561 = arith.muli %scan3A_197, %mul3A_560 : i32
        %add3A_562 = arith.constant 7 : i32
        %add3A_563 = arith.addi %mul3A_561, %add3A_562 : i32
        %jit3A_564 = arith.constant 128 : i32
        %div3A_565 = arith.divsi %add3A_563, %jit3A_564 : i32
        %sign3A_566 = arith.constant 0 : i32
        %sign3A_567 = arith.cmpi sgt, %add3A_563, %sign3A_566 : i32
        %sign3A_568 = arith.extui %sign3A_567 : i1 to i32
        %sign3A_569 = arith.constant 0 : i32
        %sign3A_570 = arith.cmpi slt, %add3A_563, %sign3A_569 : i32
        %sign3A_571 = arith.extui %sign3A_570 : i1 to i32
        %sign3A_572 = arith.subi %sign3A_568, %sign3A_571 : i32
        %sign3A_573 = arith.constant 0 : i32
        %sign3A_574 = arith.cmpi sgt, %jit3A_564, %sign3A_573 : i32
        %sign3A_575 = arith.extui %sign3A_574 : i1 to i32
        %sign3A_576 = arith.constant 0 : i32
        %sign3A_577 = arith.cmpi slt, %jit3A_564, %sign3A_576 : i32
        %sign3A_578 = arith.extui %sign3A_577 : i1 to i32
        %sign3A_579 = arith.subi %sign3A_575, %sign3A_578 : i32
        %ne3A_580 = arith.cmpi ne, %sign3A_572, %sign3A_579 : i32
        %rem3A_581 = arith.remsi %add3A_563, %jit3A_564 : i32
        %ne3A_582 = arith.constant 0 : i32
        %ne3A_583 = arith.cmpi ne, %rem3A_581, %ne3A_582 : i32
        %and3A_584 = arith.andi %ne3A_580, %ne3A_583 : i1
        %sub3A_585 = arith.constant 1 : i32
        %sub3A_586 = arith.subi %div3A_565, %sub3A_585 : i32
        %select_n3A_587 = arith.select %and3A_584, %sub3A_586, %div3A_565 : i32
        %broadcast_in_dim3A_588 = vector.broadcast %select_n3A_587 : i32 to vector<16xi32>
        %jit3A_589 = arith.constant 128 : i32
        %eq3A_590 = arith.constant 0 : i32
        %eq3A_591 = arith.cmpi eq, %jit3A_589, %eq3A_590 : i32
        %jit3A_592 = arith.constant 1 : i32
        %select_n3A_593 = arith.select %eq3A_591, %jit3A_592, %jit3A_589 : i32
        %rem3A_594 = arith.remsi %add3A_563, %select_n3A_593 : i32
        %ne3A_595 = arith.constant 0 : i32
        %ne3A_596 = arith.cmpi ne, %rem3A_594, %ne3A_595 : i32
        %lt3A_597 = arith.constant 0 : i32
        %lt3A_598 = arith.cmpi slt, %rem3A_594, %lt3A_597 : i32
        %lt3A_599 = arith.constant 0 : i32
        %lt3A_600 = arith.cmpi slt, %select_n3A_593, %lt3A_599 : i32
        %ne3A_601 = arith.xori %lt3A_598, %lt3A_600 : i1
        %and3A_602 = arith.andi %ne3A_601, %ne3A_596 : i1
        %add3A_603 = arith.addi %rem3A_594, %select_n3A_593 : i32
        %select_n3A_604 = arith.select %and3A_602, %add3A_603, %rem3A_594 : i32
        %broadcast_in_dim3A_605 = vector.broadcast %select_n3A_604 : i32 to vector<16xi32>
        %get3A_606 = arith.index_cast %add3A_563 : i32 to index
        %get3A_607 = arith.constant 0 : index
        %get3A_608 = tpu.vector_load %arg7[%get3A_606, %get3A_607] {strides = array<i32>} : memref<512x32xf32, #tpu.memory_space<vmem>>, vector<16xf32>,
        %get3A_609 = arith.index_cast %add3A_563 : i32 to index
        %get3A_610 = arith.constant 16 : index
        %get3A_611 = tpu.vector_load %arg7[%get3A_609, %get3A_610] {strides = array<i32>} : memref<512x32xf32, #tpu.memory_space<vmem>>, vector<16xf32>,
        tpu.vector_store_idx %arg9[%select_n3A, %broadcast_in_dim3A_588, %select_n3A_50, %broadcast_in_dim3A_605], %get3A_608 : memref<4x5x8x129xf32, #tpu.memory_space<vmem>>[vector<16xi32>, vector<16xi32>, vector<16xi32>, vector<16xi32>], vector<16xf32>,
        tpu.vector_store_idx %arg9[%add3A_30, %broadcast_in_dim3A_588, %select_n3A_50, %broadcast_in_dim3A_605], %get3A_611 : memref<4x5x8x129xf32, #tpu.memory_space<vmem>>[vector<16xi32>, vector<16xi32>, vector<16xi32>, vector<16xi32>], vector<16xf32>,
      }
      %scan3A_176 = arith.constant 64 : i32
      %dma_start3A_177 = arith.constant 0 : i32
      %dma_start3A_178 = arith.constant 0 : i32
      %dma_start3A_179 = arith.constant 0 : i32
      %dma_start3A_180 = arith.constant 0 : i32
      %dma_start3A_181 = tpu.memref_slice %arg9[%dma_start3A_177, %dma_start3A_178, %dma_start3A_179, %dma_start3A_180] : memref<4x5x8x129xf32, #tpu.memory_space<vmem>> -> memref<4x4x8x128xf32, #tpu.memory_space<vmem>>
      %dma_start3A_182 = arith.constant 0 : i32
      %dma_start3A_183 = arith.constant 0 : i32
      %dma_start3A_184 = arith.constant 0 : i32
      %dma_start3A_185 = tpu.memref_slice %arg4[%add3A_152, %dma_start3A_182, %mul3A_4, %dma_start3A_183, %dma_start3A_184] : memref<50x4x128x8x128xf32, #tpu.memory_space<hbm>> -> memref<1x4x4x8x128xf32, #tpu.memory_space<hbm>>
      %dma_start3A_186 = tpu.memref_squeeze %dma_start3A_185 : memref<1x4x4x8x128xf32, #tpu.memory_space<hbm>> -> memref<4x4x8x128xf32, #tpu.memory_space<hbm>>
      %dma_start3A_187 = arith.constant 0 : i32
      %dma_start3A_188 = arith.constant 0 : i32
      %dma_start3A_189 = arith.constant 0 : i32
      %dma_start3A_190 = tpu.memref_slice %arg4[%add3A_152, %dma_start3A_187, %mul3A_4, %dma_start3A_188, %dma_start3A_189] : memref<50x4x128x8x128xf32, #tpu.memory_space<hbm>> -> memref<1x4x4x8x128xf32, #tpu.memory_space<hbm>>
      %dma_start3A_191 = tpu.memref_squeeze %dma_start3A_190 : memref<1x4x4x8x128xf32, #tpu.memory_space<hbm>> -> memref<4x4x8x128xf32, #tpu.memory_space<hbm>>
      %dma_start3A_192 = arith.constant 0 : i32
      %dma_start3A_193 = arith.constant 0 : i32
      %dma_start3A_194 = arith.constant 0 : i32
      %dma_start3A_195 = arith.constant 0 : i32
      %dma_start3A_196 = tpu.memref_slice %arg9[%dma_start3A_192, %dma_start3A_193, %dma_start3A_194, %dma_start3A_195] : memref<4x5x8x129xf32, #tpu.memory_space<vmem>> -> memref<4x4x8x128xf32, #tpu.memory_space<vmem>>
      tpu.enqueue_dma source(%dma_start3A_196 : memref<4x4x8x128xf32, #tpu.memory_space<vmem>>) target(%dma_start3A_191 : memref<4x4x8x128xf32, #tpu.memory_space<hbm>>) target_semaphore(%arg13 : memref<!tpu.dma_semaphore, #tpu.memory_space<semaphore_mem>>)
    }
    %scan3A_61 = arith.constant 25 : i32
    %dma_wait3A = arith.constant 48 : i32
    %dma_wait3A_62 = arith.constant 0 : i32
    %dma_wait3A_63 = arith.constant 0 : i32
    %dma_wait3A_64 = arith.constant 0 : i32
    %dma_wait3A_65 = arith.constant 0 : i32
    %dma_wait3A_66 = tpu.memref_slice %arg8[%dma_wait3A_62, %dma_wait3A_63, %dma_wait3A_64, %dma_wait3A_65] : memref<4x5x8x129xf32, #tpu.memory_space<vmem>> -> memref<4x4x8x128xf32, #tpu.memory_space<vmem>>
    %dma_wait3A_67 = arith.constant 0 : i32
    %dma_wait3A_68 = arith.constant 0 : i32
    %dma_wait3A_69 = arith.constant 0 : i32
    %dma_wait3A_70 = tpu.memref_slice %arg4[%dma_wait3A, %dma_wait3A_67, %mul3A_4, %dma_wait3A_68, %dma_wait3A_69] : memref<50x4x128x8x128xf32, #tpu.memory_space<hbm>> -> memref<1x4x4x8x128xf32, #tpu.memory_space<hbm>>
    %dma_wait3A_71 = tpu.memref_squeeze %dma_wait3A_70 : memref<1x4x4x8x128xf32, #tpu.memory_space<hbm>> -> memref<4x4x8x128xf32, #tpu.memory_space<hbm>>
    %dma_wait3A_72 = arith.constant 0 : i32
    %dma_wait3A_73 = arith.constant 0 : i32
    %dma_wait3A_74 = arith.constant 0 : i32
    %dma_wait3A_75 = tpu.memref_slice %arg4[%dma_wait3A, %dma_wait3A_72, %mul3A_4, %dma_wait3A_73, %dma_wait3A_74] : memref<50x4x128x8x128xf32, #tpu.memory_space<hbm>> -> memref<1x4x4x8x128xf32, #tpu.memory_space<hbm>>
    %dma_wait3A_76 = tpu.memref_squeeze %dma_wait3A_75 : memref<1x4x4x8x128xf32, #tpu.memory_space<hbm>> -> memref<4x4x8x128xf32, #tpu.memory_space<hbm>>
    %dma_wait3A_77 = arith.constant 0 : i32
    %dma_wait3A_78 = arith.constant 0 : i32
    %dma_wait3A_79 = arith.constant 0 : i32
    %dma_wait3A_80 = arith.constant 0 : i32
    %dma_wait3A_81 = tpu.memref_slice %arg8[%dma_wait3A_77, %dma_wait3A_78, %dma_wait3A_79, %dma_wait3A_80] : memref<4x5x8x129xf32, #tpu.memory_space<vmem>> -> memref<4x4x8x128xf32, #tpu.memory_space<vmem>>
    tpu.wait_dma2 semaphore(%arg12 : memref<!tpu.dma_semaphore, #tpu.memory_space<semaphore_mem>>) src(%dma_wait3A_81 : memref<4x4x8x128xf32, #tpu.memory_space<vmem>>) dst(%dma_wait3A_76 : memref<4x4x8x128xf32, #tpu.memory_space<hbm>>)
    %dma_wait3A_82 = arith.constant 49 : i32
    %dma_wait3A_83 = arith.constant 0 : i32
    %dma_wait3A_84 = arith.constant 0 : i32
    %dma_wait3A_85 = arith.constant 0 : i32
    %dma_wait3A_86 = arith.constant 0 : i32
    %dma_wait3A_87 = tpu.memref_slice %arg9[%dma_wait3A_83, %dma_wait3A_84, %dma_wait3A_85, %dma_wait3A_86] : memref<4x5x8x129xf32, #tpu.memory_space<vmem>> -> memref<4x4x8x128xf32, #tpu.memory_space<vmem>>
    %dma_wait3A_88 = arith.constant 0 : i32
    %dma_wait3A_89 = arith.constant 0 : i32
    %dma_wait3A_90 = arith.constant 0 : i32
    %dma_wait3A_91 = tpu.memref_slice %arg4[%dma_wait3A_82, %dma_wait3A_88, %mul3A_4, %dma_wait3A_89, %dma_wait3A_90] : memref<50x4x128x8x128xf32, #tpu.memory_space<hbm>> -> memref<1x4x4x8x128xf32, #tpu.memory_space<hbm>>
    %dma_wait3A_92 = tpu.memref_squeeze %dma_wait3A_91 : memref<1x4x4x8x128xf32, #tpu.memory_space<hbm>> -> memref<4x4x8x128xf32, #tpu.memory_space<hbm>>
    %dma_wait3A_93 = arith.constant 0 : i32
    %dma_wait3A_94 = arith.constant 0 : i32
    %dma_wait3A_95 = arith.constant 0 : i32
    %dma_wait3A_96 = tpu.memref_slice %arg4[%dma_wait3A_82, %dma_wait3A_93, %mul3A_4, %dma_wait3A_94, %dma_wait3A_95] : memref<50x4x128x8x128xf32, #tpu.memory_space<hbm>> -> memref<1x4x4x8x128xf32, #tpu.memory_space<hbm>>
    %dma_wait3A_97 = tpu.memref_squeeze %dma_wait3A_96 : memref<1x4x4x8x128xf32, #tpu.memory_space<hbm>> -> memref<4x4x8x128xf32, #tpu.memory_space<hbm>>
    %dma_wait3A_98 = arith.constant 0 : i32
    %dma_wait3A_99 = arith.constant 0 : i32
    %dma_wait3A_100 = arith.constant 0 : i32
    %dma_wait3A_101 = arith.constant 0 : i32
    %dma_wait3A_102 = tpu.memref_slice %arg9[%dma_wait3A_98, %dma_wait3A_99, %dma_wait3A_100, %dma_wait3A_101] : memref<4x5x8x129xf32, #tpu.memory_space<vmem>> -> memref<4x4x8x128xf32, #tpu.memory_space<vmem>>
    tpu.wait_dma2 semaphore(%arg13 : memref<!tpu.dma_semaphore, #tpu.memory_space<semaphore_mem>>) src(%dma_wait3A_102 : memref<4x4x8x128xf32, #tpu.memory_space<vmem>>) dst(%dma_wait3A_97 : memref<4x4x8x128xf32, #tpu.memory_space<hbm>>)
    return
  }
}

</mosaic_0001>

<sc_bundles>
// kernel: kernel.3.cloned.1.call-start
scs
__scs_entry_jumppad:
0x0: {  	(pc) =	sbr.rel $0x88, $3  }
0x1: {  	(tag) =	ssettag $0x0;
	lr =	simm.s32 $0x1  }
0x2: {  	[smem:$0x3F9F] =	sst lr;
	_ =	strace $0xD0000000  }
0x3: {  	_ = 	snop  }
0x4: {  	_ = 	snop  }
0x5: {  	_ = 	snop  }
0x6: {  	_ = 	snop  }
0x7: {  	_ = 	snop  }
__scs_overlays_trampoline_lowered:
0x8: {  	[smem:$0x3FAE] =	sst s0  }
0x9: {  	[smem:$0x3FAF] =	sst s1  }
0xa: {  	[smem:$0x3FB0] =	sst s2  }
0xb: {  	[smem:$0x3FB1] =	sst s3  }
0xc: {  	[smem:$0x3FB2] =	sst s4  }
0xd: {  	[smem:$0x3FB3] =	sst s5  }
0xe: {  	[smem:$0x3FB4] =	sst s6  }
0xf: {  	[smem:$0x3FB5] =	sst s7  }
0x10: {  	[smem:$0x3FB6] =	sst s8  }
0x11: {  	[smem:$0x3FB7] =	sst s9;
	s0 =	simm.s32 @!p0 $0x0  }
0x12: {  	s1 =	sld [smem:$0x3F9D];
	s0 =	simm.s32 @p0 $0x1  }
0x13: {  	[smem:$0x3FB8] =	sst s0;
	s0 =	simm.s32 @!p1 $0x0  }
0x14: {  	s2 =	sld [smem:$0x3F9C];
	s0 =	simm.s32 @p1 $0x1  }
0x15: {  	[smem:$0x3FB9] =	sst s0;
	s0 =	simm.s32 @!p2 $0x0  }
0x16: {  	s3 =	sld [smem:$0x3FDB];
	s0 =	simm.s32 @p2 $0x1  }
0x17: {  	s4 =	simm.s32 $0x1BF5;
	[smem:$0x3FBB] =	sst s0  }
0x18: {  	s0 =	sld [smem:$0x3F9E];
	_ =	swait.ge [sflag:s4], $0x0  }
0x19: {  	s7 =	sld [smem:$0x3F9F]  }
0x1a: {  	s8 =	sadd.s32 $0xFFFFE003, lr  }
0x1b: {  	s9 =	sadd.s32 $0xFFFFFEF7, lr;
	s5 =	simm.s32 $0xFFFFFFFF;
	p2 =	slt.u32 s8, $0xFFFFF086  }
0x1c: {  	p1 =	slt.u32 s9, $0xF7A;
	s5 =	simm.s32 @!p2 $0x0  }
0x1d: {  	s5 =	simm.s32 @p1 $0x1;
	p0 =	seq.s32 s7, s2  }
0x1e: {  	s7 =	smul.u32 @!p0 $0xF7A, s2;
	p2 =	seq.s32 @!p0 s5, $0x0  }
0x1f: {  	s9 =	smul.u32 $0xF7A, s1;
	s8 =	simm.s32 @!p0 $0x1BF5;
	p2 =	por !p2, p0  }
0x20: {  	[sflag:s8] =	ssyncset.s32 @!p0 $0xFFFFF086;
	s6 =	sadd.s32 @!p0 s3, s7;
	s7 =	simm.s32 @!p0 $0x108  }
0x21: {  	s3 =	sadd.s32 s3, s9;
	s6 =	sadd.s32 @!p0 $0x88, s6;
	s7 =	simm.s32 @p2 $0x1082  }
0x22: {  	[simem:s7], [sflag:s8] =	dma.local @!p0 [hbm:s6], $0xF7A  }
0x23: {  	s9 =	sor.u32 $0xD0000000, s2;
	s6 =	simm.s32 $0x108;
	_ =	swait.ge @!p0 [sflag:s8], $0x0  }
0x24: {  	s3 =	sadd.s32 $0x88, s3;
	s6 =	simm.s32 @!p1 $0x1082;
	[sflag:s4] =	ssyncset.s32 $0xFFFFF086  }
0x25: {  	[simem:s6], [sflag:s4] =	dma.local [hbm:s3], $0xF7A  }
0x26: {  	[smem:$0x3F9F] =	sst s1;
	(tag) =	ssettag s2;
	_ =	strace s9  }
0x27: {  	s1 =	sld [smem:$0x3FAF]  }
0x28: {  	s2 =	sld [smem:$0x3FB0]  }
0x29: {  	s4 =	sld [smem:$0x3FB2]  }
0x2a: {  	p0 =	seq.s32 s5, $0x0;
	s5 =	sld [smem:$0x3FB3]  }
0x2b: {  	s6 =	sld [smem:$0x3FB4]  }
0x2c: {  	s7 =	sld [smem:$0x3FB5]  }
0x2d: {  	s3 =	simm.s32 $0x108;
	s8 =	sld [smem:$0x3FB6]  }
0x2e: {  	s3 =	simm.s32 @!p0 $0x1082;
	s9 =	sld [smem:$0x3FB7]  }
0x2f: {  	lr =	sadd.s32 s0, s3;
	s0 =	sld [smem:$0x3FAE]  }
0x30: {  	s3 =	sld [smem:$0x3FB1]  }
0x31: {  	[smem:$0x3FBA] =	sst s10  }
0x32: {  	s10 =	sld [smem:$0x3FB8];
	_ =	sdelay $0x3  }
0x33: {  	p0 =	seq.s32 s10, $0x1;
	s10 =	sld [smem:$0x3FBA];
	_ =	sdelay $0x3  }
0x34: {  	[smem:$0x3FBA] =	sst s10  }
0x35: {  	s10 =	sld [smem:$0x3FB9];
	_ =	sdelay $0x3  }
0x36: {  	p1 =	seq.s32 s10, $0x1;
	s10 =	sld [smem:$0x3FBA];
	_ =	sdelay $0x3  }
0x37: {  	[smem:$0x3FBA] =	sst s10  }
0x38: {  	s10 =	sld [smem:$0x3FBB]  }
0x39: {  	_ = 	snop;
	(pc) =	sbr.ind lr, $3  }
0x3a: {  	_ = 	snop  }
0x3b: {  	_ = 	snop  }
0x3c: {  	p2 =	seq.s32 s10, $0x1;
	s10 =	sld [smem:$0x3FBA]  }
0x3d: {  	_ =	shalt  }
0x3e: {  	_ =	shalt  }
0x3f: {  	_ =	shalt  }
0x40: {  	_ =	shalt  }
0x41: {  	_ =	shalt  }
0x42: {  	_ =	shalt  }
0x43: {  	_ =	shalt  }
0x44: {  	_ =	shalt  }
0x45: {  	_ =	shalt  }
0x46: {  	_ =	shalt  }
0x47: {  	_ =	shalt  }
0x48: {  	_ =	shalt  }
0x49: {  	_ =	shalt  }
0x4a: {  	_ =	shalt  }
0x4b: {  	_ =	shalt  }
0x4c: {  	_ =	shalt  }
0x4d: {  	_ =	shalt  }
0x4e: {  	_ =	shalt  }
0x4f: {  	_ =	shalt  }
0x50: {  	_ =	shalt  }
0x51: {  	_ =	shalt  }
0x52: {  	_ =	shalt  }
0x53: {  	_ =	shalt  }
0x54: {  	_ =	shalt  }
0x55: {  	_ =	shalt  }
0x56: {  	_ =	shalt  }
0x57: {  	_ =	shalt  }
0x58: {  	_ =	shalt  }
0x59: {  	_ =	shalt  }
0x5a: {  	_ =	shalt  }
0x5b: {  	_ =	shalt  }
0x5c: {  	_ =	shalt  }
0x5d: {  	_ =	shalt  }
0x5e: {  	_ =	shalt  }
0x5f: {  	_ =	shalt  }
0x60: {  	_ =	shalt  }
0x61: {  	_ =	shalt  }
0x62: {  	_ =	shalt  }
0x63: {  	_ =	shalt  }
0x64: {  	_ =	shalt  }
0x65: {  	_ =	shalt  }
0x66: {  	_ =	shalt  }
0x67: {  	_ =	shalt  }
0x68: {  	_ =	shalt  }
0x69: {  	_ =	shalt  }
0x6a: {  	_ =	shalt  }
0x6b: {  	_ =	shalt  }
0x6c: {  	_ =	shalt  }
0x6d: {  	_ =	shalt  }
0x6e: {  	_ =	shalt  }
0x6f: {  	_ =	shalt  }
0x70: {  	_ =	shalt  }
0x71: {  	_ =	shalt  }
0x72: {  	_ =	shalt  }
0x73: {  	_ =	shalt  }
0x74: {  	_ =	shalt  }
0x75: {  	_ =	shalt  }
0x76: {  	_ =	shalt  }
0x77: {  	_ =	shalt  }
0x78: {  	_ =	shalt  }
0x79: {  	_ =	shalt  }
0x7a: {  	_ =	shalt  }
0x7b: {  	_ =	shalt  }
0x7c: {  	_ =	shalt  }
0x7d: {  	_ =	shalt  }
0x7e: {  	_ =	shalt  }
0x7f: {  	_ =	shalt  }
0x80: {  	_ =	shalt  }
0x81: {  	_ =	shalt  }
0x82: {  	_ =	shalt  }
0x83: {  	_ =	shalt  }
0x84: {  	_ =	shalt  }
0x85: {  	_ =	shalt  }
0x86: {  	_ =	shalt  }
0x87: {  	_ =	shalt  }
.Lfunc_end0:
.L_simem_size_0:
called_computation_lowered:
.L_overlay_start_0:
0x88: {  	s2 =	sld [smem:$0x3FD9]  }
0x89: {  	s3 =	sld [smem:$0x3FFE];
	_ =	sdelay $0x1  }
0x8a: {  	s1 =	srdreg.scid  }
0x8b: {  	s0 =	sand.u32 $0x1, s1  }
0x8c: {  	s17 =	sshll.u32 s0, $0xA;
	s2 =	sadd.s32 s3, s2  }
0x8d: {  	s2 =	sadd.s32 s2, s17  }
0x8e: {  	[smem:$0x3FC6] =	sst s2  }
0x8f: {  	_ = 	snop  }
0x90: {  	s2 =	sld [smem:$0x3FD0];
	(tm) =	ssettm $0x1  }
0x91: {  	s18 =	sld [smem:$0x3FFB];
	_ =	sdelay $0x3  }
0x92: {  	_ =	strace s18  }
0x93: {  	s3 =	sld [smem:$0x3FFC];
	_ =	sdelay $0x3  }
0x94: {  	_ =	strace s3  }
0x95: {  	s3 =	sld [smem:$0x3FFD];
	_ =	sdelay $0x3  }
0x96: {  	_ =	strace s3  }
0x97: {  	_ =	strace $0x8FFFFFFF  }
0x98: {  	s19 =	sld [smem:$0x3FDB];
	_ =	sdelay $0x1  }
0x99: {  	s4 =	simm.s32 $_scs_section_size  }
0x9a: {  	s5 =	simm.s32 $_size__tile_overlayer_lowered;
	s6 =	simm.s32 $_tile_overlayer_lowered  }
0x9b: {  	s22 =	simm.s32 $0x1BFF;
	s21 =	sshll.u32 s6, $0x1;
	s3 =	sadd.s32 s4, s19  }
0x9c: {  	s7 =	simm.s32 $0x0;
	s20 =	sshll.u32 s5, $0x1;
	s5 =	sadd.s32 s21, s3  }
0x9d: {  	[timem:s7], [sflag:s22] =	dma.local [hbm:s5], s20  }
0x9e: {  	_ =	swait.ge [sflag:s22], s20  }
0x9f: {  	s4 =	ssub.s32 $0x0, s20;
	[sflag:s22] =	ssyncset.done $0x0  }
0xa0: {  	[sflag:s22] =	ssyncadd.s32 s4;
	_ =	sdelay $0x1  }
0xa1: {  	s23 =	simm.s32 $0x1B8B  }
0xa2: {  	_ =	swait.ge [sflag:s23], $0x1  }
0xa3: {  	[sflag:s23] =	ssyncset.done $0x0  }
0xa4: {  	s25 =	simm.s32 $0x1B8E;
	s24 =	sld [smem:$0x3FFE];
	[sflag:s23] =	ssyncadd.s32 $0xFFFFFFFF  }
0xa5: {  	s26 =	simm.s32 $execute0_lowered;
	[smem:$0x3FD2] =	sst s25  }
0xa6: {  	s5 =	sshll.u32 s26, $0x1;
	_ =	strace $0x80000046;
	[dreg:$0x1] =	wrdreg $0xFFFFFFFF  }
0xa7: {  	s28 =	simm.s32 $_size_execute0_lowered;
	s3 =	sadd.s32 s3, s5;
	[dreg:$0x0] =	wrdreg $0x0  }
0xa8: {  	s5 =	sshll.u32 s28, $0x1;
	[dreg:$0x2] =	wrdreg s3  }
0xa9: {  	[dreg:$0x3] =	wrdreg s5  }
0xaa: {  	[dreg:$0x4] =	wrdreg $0xC0  }
0xab: {  	_ =	task [dreg:s7], $0x5FFFF  }
0xac: {  	[dreg:$0x1] =	wrdreg $0xFFFFFFFF  }
0xad: {  	[dreg:$0x0] =	wrdreg $0x60  }
0xae: {  	[dreg:$0x2] =	wrdreg s24  }
0xaf: {  	[dreg:$0x3] =	wrdreg s2  }
0xb0: {  	[dreg:$0x4] =	wrdreg $0x9  }
0xb1: {  	_ =	task.clear_ibuf [dreg:s7], $0x5FFFF;
	_ =	strace $0x90000046  }
0xb2: {  	s29 =	simm.s32 $0x9;
	_ =	strace $0x80000048  }
0xb3: {  	_ =	swait.ge [sflag:s29], $0x1  }
0xb4: {  	[sflag:s29] =	ssyncadd.s32 $0xFFFFFFFF  }
0xb5: {  	_ =	strace $0x90000048  }
0xb6: {  	_ =	sfence  }
0xb7: {  	s30 =	sld [smem:$0x0];
	_ =	sdelay $0x2  }
0xb8: {  	s31 =	sshll.u32 s1, $0xD;
	s1 =	sshrl.u32 s1, $0x2  }
0xb9: {  	s3 =	sand.u32 $0x4000, s31;
	s1 =	sadd.s32 s1, s30  }
0xba: {  	s0 =	sor.u32 s3, s0;
	s1 =	sshll.u32 s1, $0x11  }
0xbb: {  	s0 =	sor.u32 s1, s0  }
0xbc: {  	s0 =	sadd.s32 $0x8F2B, s0  }
0xbd: {  	[sflag:s0] =	ssyncadd.remote.s32 $0x1  }
0xbe: {  	_ =	sfence.sel $0xFFFF  }
0xbf: {  	[dreg:$0x0] =	wrdreg $0xFFFFFFFF;
	(pc) =	sbr.abs _section_cstart, $3  }
0xc0: {  	[dreg:$0x1] =	wrdreg $0xFFFFFFFF  }
0xc1: {  	_ =	task.clear_ibuf [dreg:s7], $0x2FFFF;
	_ =	strace $0x9FFFFFFF  }
0xc2: {  	(tm) =	ssettm $0x7FFFFFFF  }
0xc3: {  	_ =	shalt  }
tec
execute0_lowered:
.L_overlay_start_1:
0x0: {  	(tag) =	ssettag $0x1  }
0x1: {  	v0 =	vimm.s32 $0x18F8  }
0x2: {  	vm0 =	vcmask $0x300;
	vm1 =	vcmask $0x704;
	v1 =	vimm.s32 $0x4378  }
0x3: {  	vm2 =	vcmask $0xB08;
	v0 =	vsel vm0, $0x0, v0;
	v1 =	vsel vm0, $0x2A80, v1  }
0x4: {  	vm3 =	vcmask $0xF0C;
	v0 =	vsel vm1, $0x88, v0;
	v1 =	vsel vm1, $0x2B08, v1  }
0x5: {  	s4 =	rddreg [dreg:$0x0];
	vm15 =	vcmask $0x1310;
	v0 =	vsel vm2, $0x110, v0;
	v1 =	vsel vm2, $0x2B90, v1  }
0x6: {  	s1 =	rddreg [dreg:$0x1];
	vm6 =	vcmask $0x1714;
	v0 =	vsel vm3, $0x198, v0;
	v1 =	vsel vm3, $0x2C18, v1  }
0x7: {  	s0 =	rddreg [dreg:$0x2];
	vm7 =	vcmask $0x1B18;
	v0 =	vsel vm15, $0x220, v0;
	v1 =	vsel vm15, $0x2CA0, v1  }
0x8: {  	s5 =	srdreg.scid;
	s2 =	stileid.u32;
	vm8 =	vcmask $0x1F1C;
	v0 =	vsel vm6, $0x2A8, v0;
	v1 =	vsel vm6, $0x2D28, v1  }
0x9: {  	s3 =	simm.s32 $0x0;
	vm9 =	vcmask $0x2320;
	s9 =	simm.s32 $0x4000;
	s10 =	simm.s32 $0x5;
	v0 =	vsel vm7, $0x330, v0;
	v1 =	vsel vm7, $0x2DB0, v1  }
0xa: {  	vm10 =	vcmask $0x2724;
	s11 =	simm.s32 $0x6400;
	s12 =	simm.s32 $0x1;
	s13 =	simm.s32 $0xA400;
	v0 =	vsel vm8, $0x3B8, v0;
	v1 =	vsel vm8, $0x2E38, v1  }
0xb: {  	vm11 =	vcmask $0x2B28;
	s14 =	simm.s32 $0xE400;
	s15 =	simm.s32 $0x2;
	s16 =	simm.s32 $0x13900;
	v0 =	vsel vm9, $0x1540, v0;
	v1 =	vsel vm9, $0x3FC0, v1  }
0xc: {  	vm12 =	vcmask $0x2F2C;
	s17 =	simm.s32 $0x3;
	s18 =	simm.s32 $0x4;
	s19 =	simm.s32 $0x0;
	v0 =	vsel vm10, $0x15C8, v0;
	v1 =	vsel vm10, $0x4048, v1  }
0xd: {  	vm13 =	vcmask $0x3330;
	s5 =	sand.u32 $0x1, s5;
	s6 =	sshll.u32 s2, $0x1;
	[smem:$0x7FF] =	sst s3;
	v0 =	vsel vm11, $0x1650, v0;
	v1 =	vsel vm11, $0x40D0, v1  }
0xe: {  	vm14 =	vcmask $0x3734;
	s6 =	sor.u32 s5, s6;
	s5 =	ssub.s32 $0x2, s5;
	_ =	strace $0x80000047;
	v0 =	vsel vm12, $0x16D8, v0;
	v1 =	vsel vm12, $0x4158, v1  }
0xf: {  	v2 =	vimm.s32 $0x0;
	s7 =	sshll.u32 s6, $0x6;
	s8 =	sshrl.u32 s5, $0x1;
	s6 =	sshll.u32 s6, $0xC;
	v0 =	vsel vm13, $0x1760, v0;
	v1 =	vsel vm13, $0x41E0, v1  }
0x10: {  	s7 =	sadd.s32 s7, s4;
	s4 =	sadd.s32 $0xF42A00, s4;
	s8 =	ssub.s32 s5, s8;
	vm15 =	vcmask $0x3B38;
	v0 =	vsel vm14, $0x17E8, v0;
	v3 =	vsel vm14, $0x4268, v1  }
0x11: {  	s5 =	sadd.s32 $0x600, s7;
	s7 =	smax.u32 s8, $0x1;
	s8 =	simm.s32 $0x200;
	v1 =	vsel vm0, $0x3, v2;
	v0 =	vsel vm15, $0x1870, v0;
	v2 =	vsel vm15, $0x42F0, v3  }
.LBB2_1:
0x12: {  	[tilespmem:s3], [sflag:$0x5] =	stream.strided.gather [hbm4b:s5+s8], $0x6400, s9, s8, $0x38;
	[tilespmem:$0x18E00] =	vst v63  }
0x13: {  	_ =	swait.ge [sflag:s10], $0x6400  }
0x14: {  	[sflag:s10] =	ssyncset.done $0x0  }
0x15: {  	s20 =	simm.s32 $0x0;
	[sflag:s10] =	ssyncadd.s32 $0xFFFF9C00  }
0x16: {  	[tilespmem:s11], [sflag:$0x1] =	stream.indirect.gather [hbm4b:s4+s8], $0x20, s3, s8, $0xb8;
	[tilespmem:$0x18E00] =	vst v63  }
.LBB2_2:
0x17: {  	p0 =	seq.s32 s20, $0x0  }
0x18: {  	s21 =	simm.s32 @!p0 $0x3  }
0x19: {  	_ =	swait.ge @!p0 [sflag:s21], $0x4000  }
0x1a: {  	s22 =	simm.s32 $0x0;
	s23 =	simm.s32 $0x0;
	[sflag:s21] =	ssyncset.done @!p0 $0x0  }
0x1b: {  	s24 =	sshll.u32 s20, $0x1;
	s22 =	sand.u32 $0x78, s22;
	v3 =	vmov s23;
	[sflag:s21] =	ssyncadd.s32 @!p0 $0xFFFFC000  }
0x1c: {  	v4 =	vmov s22;
	v3 =	vmul.u32 $0x440, v3;
	s21 =	sor.u32 $0x1, s24;
	_ =	swait.ge [sflag:s12], $0x4000  }
0x1d: {  	v4 =	vshrl.u32 v4, $0x3;
	s26 =	sshll.u32 s21, $0x9;
	[sflag:s12] =	ssyncset.done $0x0  }
0x1e: {  	v3 =	vbroadcast v3, $0x0;
	v4 =	vshll.u32 v4, v1;
	s22 =	sand.u32 $0x3FFFFE00, s26;
	[sflag:s12] =	ssyncadd.s32 $0xFFFFC000  }
0x1f: {  	v4 =	vbroadcast v4, $0x0;
	[tilespmem:s13], [sflag:$0x2] =	stream.indirect.gather [hbm4b:s4+s8], $0x20, s22, s8, $0xb8;
	[tilespmem:$0x18E00] =	vst v63  }
0x20: {  	s23 =	simm.s32 $0x6480;
	v5 =	vadd.s32 v0, v3;
	s22 =	simm.s32 $0x1  }
0x21: {  	v3 =	vadd.s32 v2, v3;
	v7 =	vadd.s32 v5, v4;
	s30 =	sand.u32 $0x78, s22;
	v6 =	vld [tilespmem:s23+$0xFFFFFF80]  }
0x22: {  	v4 =	vadd.s32 v3, v4;
	v9 =	vld [tilespmem:s23+$0xFFFFFF90];
	v8 =	vmov s30  }
0x23: {  	v8 =	vshrl.u32 v8, $0x3  }
0x24: {  	v8 =	vshll.u32 v8, v1  }
0x25: {  	v8 =	vbroadcast v8, $0x0  }
0x26: {  	[tilespmem:v7+s14+$0x0] =	vst.idx.msk $0xffff, v6  }
0x27: {  	s31 =	simm.s32 $0x2;
	[tilespmem:v4+s14+$0x0] =	vst.idx.msk $0xffff, v9;
	v4 =	vadd.s32 v5, v8  }
0x28: {  	s24 =	sand.u32 $0x78, s31;
	v6 =	vadd.s32 v3, v8;
	v7 =	vld [tilespmem:s23+$0xFFFFFFA0];
	v4 =	vor.u32 $0x1, v4  }
0x29: {  	v8 =	vmov s24;
	v9 =	vld [tilespmem:s23+$0xFFFFFFB0];
	v6 =	vor.u32 $0x1, v6  }
0x2a: {  	v8 =	vshrl.u32 v8, $0x3  }
0x2b: {  	v8 =	vshll.u32 v8, v1  }
0x2c: {  	v8 =	vbroadcast v8, $0x0  }
0x2d: {  	[tilespmem:v4+s14+$0x0] =	vst.idx.msk $0xffff, v7  }
0x2e: {  	s25 =	simm.s32 $0x3;
	v4 =	vadd.s32 v5, v8;
	[tilespmem:v6+s14+$0x0] =	vst.idx.msk $0xffff, v9  }
0x2f: {  	s24 =	sand.u32 $0x78, s25;
	v6 =	vadd.s32 v3, v8;
	v4 =	vor.u32 $0x2, v4;
	v7 =	vld [tilespmem:s23+$0xFFFFFFC0]  }
0x30: {  	v8 =	vmov s24;
	v9 =	vld [tilespmem:s23+$0xFFFFFFD0];
	v6 =	vor.u32 $0x2, v6  }
0x31: {  	v8 =	vshrl.u32 v8, $0x3  }
0x32: {  	v8 =	vshll.u32 v8, v1  }
0x33: {  	v8 =	vbroadcast v8, $0x0  }
0x34: {  	[tilespmem:v4+s14+$0x0] =	vst.idx.msk $0xffff, v7  }
0x35: {  	s26 =	simm.s32 $0x4;
	v4 =	vadd.s32 v5, v8;
	[tilespmem:v6+s14+$0x0] =	vst.idx.msk $0xffff, v9  }
0x36: {  	s24 =	sand.u32 $0x78, s26;
	v6 =	vadd.s32 v3, v8;
	v4 =	vor.u32 $0x3, v4;
	v7 =	vld [tilespmem:s23+$0xFFFFFFE0]  }
0x37: {  	v8 =	vmov s24;
	v9 =	vld [tilespmem:s23+$0xFFFFFFF0];
	v6 =	vor.u32 $0x3, v6  }
0x38: {  	v8 =	vshrl.u32 v8, $0x3  }
0x39: {  	v8 =	vshll.u32 v8, v1  }
0x3a: {  	v8 =	vbroadcast v8, $0x0  }
0x3b: {  	[tilespmem:v4+s14+$0x0] =	vst.idx.msk $0xffff, v7  }
0x3c: {  	s30 =	simm.s32 $0x5;
	v4 =	vadd.s32 v5, v8;
	[tilespmem:v6+s14+$0x0] =	vst.idx.msk $0xffff, v9  }
0x3d: {  	s24 =	sand.u32 $0x78, s30;
	v6 =	vadd.s32 v3, v8;
	v4 =	vor.u32 $0x4, v4;
	v7 =	vld [tilespmem:s23+$0x0]  }
0x3e: {  	v8 =	vmov s24;
	v9 =	vld [tilespmem:s23+$0x10];
	v6 =	vor.u32 $0x4, v6  }
0x3f: {  	v8 =	vshrl.u32 v8, $0x3  }
0x40: {  	v8 =	vshll.u32 v8, v1  }
0x41: {  	v8 =	vbroadcast v8, $0x0  }
0x42: {  	[tilespmem:v4+s14+$0x0] =	vst.idx.msk $0xffff, v7  }
0x43: {  	s31 =	simm.s32 $0x6;
	v4 =	vadd.s32 v5, v8;
	[tilespmem:v6+s14+$0x0] =	vst.idx.msk $0xffff, v9  }
0x44: {  	s24 =	sand.u32 $0x78, s31;
	v6 =	vadd.s32 v3, v8;
	v4 =	vor.u32 $0x5, v4;
	v7 =	vld [tilespmem:s23+$0x20]  }
0x45: {  	v8 =	vmov s24;
	v9 =	vld [tilespmem:s23+$0x30];
	v6 =	vor.u32 $0x5, v6  }
0x46: {  	v8 =	vshrl.u32 v8, $0x3  }
0x47: {  	v8 =	vshll.u32 v8, v1  }
0x48: {  	v8 =	vbroadcast v8, $0x0  }
0x49: {  	[tilespmem:v4+s14+$0x0] =	vst.idx.msk $0xffff, v7  }
0x4a: {  	s25 =	simm.s32 $0x7;
	v4 =	vadd.s32 v5, v8;
	[tilespmem:v6+s14+$0x0] =	vst.idx.msk $0xffff, v9  }
0x4b: {  	s24 =	sand.u32 $0x78, s25;
	v6 =	vadd.s32 v3, v8;
	v4 =	vor.u32 $0x6, v4;
	v7 =	vld [tilespmem:s23+$0x40]  }
0x4c: {  	v8 =	vmov s24;
	v9 =	vld [tilespmem:s23+$0x50];
	v6 =	vor.u32 $0x6, v6  }
0x4d: {  	v8 =	vshrl.u32 v8, $0x3  }
0x4e: {  	s26 =	simm.s32 $0xB;
	v8 =	vshll.u32 v8, v1  }
0x4f: {  	s25 =	simm.s32 $0x9;
	s24 =	sand.u32 $0x78, s26;
	v8 =	vbroadcast v8, $0x0  }
0x50: {  	s25 =	sand.u32 $0x78, s25;
	v10 =	vmov s24;
	[tilespmem:v4+s14+$0x0] =	vst.idx.msk $0xffff, v7  }
0x51: {  	s30 =	simm.s32 $0x8;
	v5 =	vadd.s32 v5, v8;
	v4 =	vshrl.u32 v10, $0x3;
	v7 =	vmov s25;
	[tilespmem:v6+s14+$0x0] =	vst.idx.msk $0xffff, v9  }
0x52: {  	s31 =	simm.s32 $0x0;
	s24 =	sand.u32 $0x78, s30;
	v5 =	vor.u32 $0x7, v5;
	v6 =	vshrl.u32 v7, $0x3;
	v7 =	vadd.s32 v3, v8;
	v12 =	vld [tilespmem:s23+$0x60]  }
0x53: {  	s26 =	simm.s32 $0xA;
	v8 =	vmov s24;
	v3 =	vshll.u32 v6, v1;
	v6 =	vmov s31  }
0x54: {  	s29 =	simm.s32 $0x10;
	s30 =	sand.u32 $0x78, s26;
	v7 =	vor.u32 $0x7, v7;
	v10 =	vshrl.u32 v8, $0x3;
	v8 =	vld [tilespmem:s23+$0x70];
	v6 =	vmul.u32 $0x440, v6  }
0x55: {  	s26 =	simm.s32 $0xE;
	v11 =	vmov s30;
	s30 =	simm.s32 $0xD;
	v4 =	vshll.u32 v4, v1;
	s31 =	simm.s32 $0xC;
	v3 =	vbroadcast v3, $0x0  }
0x56: {  	s24 =	sand.u32 $0x78, s26;
	s28 =	sand.u32 $0x78, s31;
	s31 =	simm.s32 $0xF;
	v9 =	vbroadcast v6, $0x0;
	v6 =	vshll.u32 v10, v1;
	v10 =	vshrl.u32 v11, $0x3  }
0x57: {  	s26 =	sand.u32 $0x78, s30;
	s23 =	simm.s32 $0x6580;
	s25 =	sand.u32 $0x78, s31;
	v11 =	vbroadcast v6, $0x0;
	v6 =	vbroadcast v4, $0x0;
	v4 =	vmov s24;
	[tilespmem:v5+s14+$0x0] =	vst.idx.msk $0xffff, v12  }
.LBB2_3:
0x58: {  	s30 =	sadd.s32 $0x1, s29  }
0x59: {  	s31 =	sadd.s32 $0x3, s29;
	v12 =	vadd.s32 v0, v9;
	v10 =	vshll.u32 v10, v1;
	v5 =	vmov s25;
	[tilespmem:v7+s14+$0x0] =	vst.idx.msk $0xffff, v8;
	s25 =	smov.u32 s29;
	s24 =	sadd.s32 $0x8, s29  }
0x5a: {  	p1 =	sne.s32 s29, $0x1F8;
	v9 =	vadd.s32 v2, v9;
	s30 =	sand.u32 $0x78, s30;
	s31 =	sand.u32 $0x78, s31;
	v7 =	vld [tilespmem:s23+$0xFFFFFF80];
	v8 =	vadd.s32 v12, v11;
	v5 =	vshrl.u32 v5, $0x3  }
0x5b: {  	v11 =	vadd.s32 v9, v11;
	v13 =	vmov s31;
	v14 =	vld [tilespmem:s23+$0xFFFFFF90];
	v5 =	vshll.u32 v5, v1  }
0x5c: {  	v15 =	vadd.s32 v9, v6;
	v13 =	vshrl.u32 v13, $0x3;
	v16 =	vbroadcast v5, $0x0  }
0x5d: {  	v18 =	vmov s28;
	v17 =	vadd.s32 v9, v3  }
0x5e: {  	v5 =	vshll.u32 v13, v1;
	v13 =	vadd.s32 v12, v16;
	v16 =	vadd.s32 v9, v16  }
0x5f: {  	v6 =	vadd.s32 v12, v6;
	v19 =	vmov s30;
	[tilespmem:v8+s14+$0x0] =	vst.idx.msk $0xffff, v7;
	v7 =	vbroadcast v10, $0x0  }
0x60: {  	v3 =	vadd.s32 v12, v3;
	v8 =	vshrl.u32 v19, $0x3;
	v10 =	vshrl.u32 v18, $0x3;
	[tilespmem:v11+s14+$0x0] =	vst.idx.msk $0xffff, v14  }
0x61: {  	v8 =	vshll.u32 v8, v1;
	v14 =	vor.u32 $0x1, v3;
	v10 =	vshll.u32 v10, v1;
	v11 =	vld [tilespmem:s23+$0xFFFFFFA0]  }
0x62: {  	v17 =	vor.u32 $0x1, v17;
	v3 =	vbroadcast v8, $0x0;
	v18 =	vadd.s32 v12, v7;
	v8 =	vld [tilespmem:s23+$0xFFFFFFB0]  }
0x63: {  	v19 =	vmov s26;
	v7 =	vadd.s32 v9, v7;
	v10 =	vbroadcast v10, $0x0  }
0x64: {  	v19 =	vshrl.u32 v19, $0x3  }
0x65: {  	v19 =	vshll.u32 v19, v1;
	v20 =	vadd.s32 v12, v10;
	v10 =	vadd.s32 v9, v10  }
0x66: {  	[tilespmem:v14+s14+$0x0] =	vst.idx.msk $0xffff, v11;
	v11 =	vbroadcast v19, $0x0  }
0x67: {  	[tilespmem:v17+s14+$0x0] =	vst.idx.msk $0xffff, v8  }
0x68: {  	v14 =	vor.u32 $0x2, v18;
	v8 =	vld [tilespmem:s23+$0xFFFFFFC0];
	v17 =	vadd.s32 v12, v11;
	v11 =	vadd.s32 v9, v11  }
0x69: {  	v7 =	vor.u32 $0x2, v7;
	v18 =	vld [tilespmem:s23+$0xFFFFFFD0];
	_ =	sdelay $0x3  }
0x6a: {  	[tilespmem:v14+s14+$0x0] =	vst.idx.msk $0xffff, v8  }
0x6b: {  	[tilespmem:v7+s14+$0x0] =	vst.idx.msk $0xffff, v18  }
0x6c: {  	v6 =	vor.u32 $0x3, v6;
	v7 =	vld [tilespmem:s23+$0xFFFFFFE0]  }
0x6d: {  	v14 =	vor.u32 $0x3, v15;
	v8 =	vld [tilespmem:s23+$0xFFFFFFF0];
	_ =	sdelay $0x3  }
0x6e: {  	[tilespmem:v6+s14+$0x0] =	vst.idx.msk $0xffff, v7  }
0x6f: {  	[tilespmem:v14+s14+$0x0] =	vst.idx.msk $0xffff, v8  }
0x70: {  	v7 =	vor.u32 $0x4, v20;
	v6 =	vld [tilespmem:s23+$0x0]  }
0x71: {  	v10 =	vor.u32 $0x4, v10;
	v8 =	vld [tilespmem:s23+$0x10];
	_ =	sdelay $0x3  }
0x72: {  	[tilespmem:v7+s14+$0x0] =	vst.idx.msk $0xffff, v6  }
0x73: {  	[tilespmem:v10+s14+$0x0] =	vst.idx.msk $0xffff, v8  }
0x74: {  	v7 =	vor.u32 $0x5, v17;
	v6 =	vld [tilespmem:s23+$0x20]  }
0x75: {  	v10 =	vor.u32 $0x5, v11;
	v8 =	vld [tilespmem:s23+$0x30]  }
0x76: {  	v4 =	vshrl.u32 v4, $0x3  }
0x77: {  	v4 =	vshll.u32 v4, v1  }
0x78: {  	v4 =	vbroadcast v4, $0x0  }
0x79: {  	[tilespmem:v7+s14+$0x0] =	vst.idx.msk $0xffff, v6  }
0x7a: {  	v6 =	vadd.s32 v12, v4;
	v4 =	vadd.s32 v9, v4;
	[tilespmem:v10+s14+$0x0] =	vst.idx.msk $0xffff, v8  }
0x7b: {  	v6 =	vor.u32 $0x6, v6;
	v7 =	vld [tilespmem:s23+$0x40]  }
0x7c: {  	v4 =	vor.u32 $0x6, v4;
	v8 =	vld [tilespmem:s23+$0x50];
	_ =	sdelay $0x3  }
0x7d: {  	[tilespmem:v6+s14+$0x0] =	vst.idx.msk $0xffff, v7  }
0x7e: {  	s22 =	sadd.s32 $0x1, s22;
	[tilespmem:v4+s14+$0x0] =	vst.idx.msk $0xffff, v8  }
0x7f: {  	s26 =	sshrl.u32 s22, $0x4;
	v13 =	vor.u32 $0x7, v13;
	v12 =	vld [tilespmem:s23+$0x60]  }
.Ltmp0:
0x80: {  	s28 =	sand.u32 $0x78, s25;
	v7 =	vor.u32 $0x7, v16;
	v4 =	vmov s26;
	s26 =	sadd.s32 $0x2, s25;
	v8 =	vld [tilespmem:s23+$0x70];
	(pc) =	sbr.rel @p1 .LBB2_3-.Ltmp0, $4  }
0x81: {  	v6 =	vmov s28;
	s28 =	sadd.s32 $0x4, s25;
	v4 =	vmul.u32 $0x440, v4;
	s26 =	sand.u32 $0x78, s26  }
0x82: {  	s29 =	sadd.s32 $0x6, s25;
	v6 =	vshrl.u32 v6, $0x3;
	s28 =	sand.u32 $0x78, s28;
	v10 =	vmov s26;
	s26 =	sadd.s32 $0x5, s25  }
0x83: {  	s29 =	sand.u32 $0x78, s29;
	s25 =	sadd.s32 $0x7, s25;
	v9 =	vbroadcast v4, $0x0;
	v4 =	vshll.u32 v6, v1;
	v10 =	vshrl.u32 v10, $0x3;
	s26 =	sand.u32 $0x78, s26  }
0x84: {  	s23 =	sadd.s32 $0x100, s23;
	v6 =	vbroadcast v5, $0x0;
	s25 =	sand.u32 $0x78, s25;
	v11 =	vbroadcast v4, $0x0;
	v4 =	vmov s29;
	s29 =	smov.u32 s24;
	[tilespmem:v13+s14+$0x0] =	vst.idx.msk $0xffff, v12  }
0x85: {  	_ =	sdelay $0x3  }
0x86: {  	v5 =	vadd.s32 v0, v9;
	[tilespmem:v7+s14+$0x0] =	vst.idx.msk $0xffff, v8  }
0x87: {  	v49 =	vadd.s32 v2, v9;
	v7 =	vld [tilespmem:s23+$0xFFFFFF80];
	v48 =	vadd.s32 v5, v11  }
0x88: {  	v12 =	vld [tilespmem:s23+$0xFFFFFF90];
	v50 =	vadd.s32 v49, v11;
	_ =	sdelay $0x3  }
0x89: {  	[tilespmem:v48+s14+$0x0] =	vst.idx.msk $0xffff, v7  }
0x8a: {  	v51 =	vadd.s32 v5, v3;
	[tilespmem:v50+s14+$0x0] =	vst.idx.msk $0xffff, v12  }
0x8b: {  	v3 =	vadd.s32 v49, v3;
	v7 =	vor.u32 $0x1, v51;
	v8 =	vld [tilespmem:s23+$0xFFFFFFA0]  }
0x8c: {  	v3 =	vor.u32 $0x1, v3;
	v11 =	vld [tilespmem:s23+$0xFFFFFFB0];
	_ =	sdelay $0x1  }
0x8d: {  	v10 =	vshll.u32 v10, v1  }
0x8e: {  	v10 =	vbroadcast v10, $0x0  }
0x8f: {  	[tilespmem:v7+s14+$0x0] =	vst.idx.msk $0xffff, v8  }
0x90: {  	v52 =	vadd.s32 v5, v10;
	[tilespmem:v3+s14+$0x0] =	vst.idx.msk $0xffff, v11  }
0x91: {  	v7 =	vor.u32 $0x2, v52;
	v3 =	vadd.s32 v49, v10;
	v8 =	vld [tilespmem:s23+$0xFFFFFFC0]  }
0x92: {  	v53 =	vld [tilespmem:s23+$0xFFFFFFD0];
	v3 =	vor.u32 $0x2, v3;
	_ =	sdelay $0x3  }
0x93: {  	[tilespmem:v7+s14+$0x0] =	vst.idx.msk $0xffff, v8  }
0x94: {  	v54 =	vadd.s32 v5, v6;
	[tilespmem:v3+s14+$0x0] =	vst.idx.msk $0xffff, v53  }
0x95: {  	v7 =	vor.u32 $0x3, v54;
	v3 =	vadd.s32 v49, v6;
	v55 =	vld [tilespmem:s23+$0xFFFFFFE0]  }
0x96: {  	v56 =	vmov s28;
	v10 =	vld [tilespmem:s23+$0xFFFFFFF0];
	v3 =	vor.u32 $0x3, v3  }
0x97: {  	v8 =	vshrl.u32 v56, $0x3  }
0x98: {  	v8 =	vshll.u32 v8, v1  }
0x99: {  	v8 =	vbroadcast v8, $0x0  }
0x9a: {  	[tilespmem:v7+s14+$0x0] =	vst.idx.msk $0xffff, v55  }
0x9b: {  	v57 =	vadd.s32 v5, v8;
	[tilespmem:v3+s14+$0x0] =	vst.idx.msk $0xffff, v10  }
0x9c: {  	v6 =	vor.u32 $0x4, v57;
	v3 =	vadd.s32 v49, v8;
	v7 =	vld [tilespmem:s23+$0x0]  }
0x9d: {  	v58 =	vmov s26;
	v10 =	vld [tilespmem:s23+$0x10];
	v3 =	vor.u32 $0x4, v3  }
0x9e: {  	v8 =	vshrl.u32 v58, $0x3  }
0x9f: {  	v8 =	vshll.u32 v8, v1  }
0xa0: {  	v8 =	vbroadcast v8, $0x0  }
0xa1: {  	[tilespmem:v6+s14+$0x0] =	vst.idx.msk $0xffff, v7  }
0xa2: {  	v59 =	vadd.s32 v5, v8;
	[tilespmem:v3+s14+$0x0] =	vst.idx.msk $0xffff, v10  }
0xa3: {  	v6 =	vor.u32 $0x5, v59;
	v3 =	vadd.s32 v49, v8;
	v7 =	vld [tilespmem:s23+$0x20]  }
0xa4: {  	v60 =	vld [tilespmem:s23+$0x30];
	v3 =	vor.u32 $0x5, v3  }
0xa5: {  	v4 =	vshrl.u32 v4, $0x3  }
0xa6: {  	v4 =	vshll.u32 v4, v1  }
0xa7: {  	v4 =	vbroadcast v4, $0x0  }
0xa8: {  	[tilespmem:v6+s14+$0x0] =	vst.idx.msk $0xffff, v7  }
0xa9: {  	[tilespmem:v3+s14+$0x0] =	vst.idx.msk $0xffff, v60;
	v3 =	vadd.s32 v5, v4  }
0xaa: {  	v4 =	vadd.s32 v49, v4;
	v6 =	vld [tilespmem:s23+$0x40];
	v3 =	vor.u32 $0x6, v3  }
0xab: {  	v61 =	vmov s25;
	v8 =	vld [tilespmem:s23+$0x50];
	v4 =	vor.u32 $0x6, v4  }
0xac: {  	v7 =	vshrl.u32 v61, $0x3  }
0xad: {  	v7 =	vshll.u32 v7, v1  }
0xae: {  	v7 =	vbroadcast v7, $0x0  }
0xaf: {  	[tilespmem:v3+s14+$0x0] =	vst.idx.msk $0xffff, v6  }
0xb0: {  	v3 =	vadd.s32 v5, v7;
	[tilespmem:v4+s14+$0x0] =	vst.idx.msk $0xffff, v8  }
0xb1: {  	v62 =	vadd.s32 v49, v7;
	v3 =	vor.u32 $0x7, v3;
	v63 =	vld [tilespmem:s23+$0x60]  }
0xb2: {  	v4 =	vor.u32 $0x7, v62;
	v6 =	vld [tilespmem:s23+$0x70]  }
0xb3: {  	s22 =	sshll.u32 s20, $0x14  }
0xb4: {  	s22 =	sor.u32 s6, s22  }
0xb5: {  	s22 =	sshrl.u32 s22, $0x3  }
0xb6: {  	s24 =	simm.s32 $0x10;
	s22 =	sadd.s32 s1, s22;
	[tilespmem:v3+s14+$0x0] =	vst.idx.msk $0xffff, v63  }
0xb7: {  	s25 =	simm.s32 $0xE488;
	s26 =	sadd.s32 $0x0, s22;
	s23 =	simm.s32 $0xE400;
	[tilespmem:v4+s14+$0x0] =	vst.idx.msk $0xffff, v6  }
.LBB2_5:
0xb8: {  	[hbm4b:s26+s3] =	stream.linear.scatter [tilespmem:s23], [sflag:$0x3], $0x80, $0x38;
	[tilespmem:$0x18E00] =	vst v63  }
0xb9: {  	s26 =	smov.u32 s24;
	s23 =	smov.u32 s25;
	p1 =	sne.s32 s24, $0x1F0  }
.Ltmp1:
0xba: {  	s24 =	sadd.s32 $0x10, s24;
	(pc) =	sbr.rel @p1 .LBB2_5-.Ltmp1, $2  }
0xbb: {  	_ =	sdelay $0x2  }
0xbc: {  	s25 =	sadd.s32 $0x88, s25;
	s26 =	sadd.s32 s26, s22  }
0xbd: {  	[hbm4b:s26+s3] =	stream.linear.scatter [tilespmem:s23], [sflag:$0x3], $0x80, $0x38;
	[tilespmem:$0x18E00] =	vst v63  }
0xbe: {  	s23 =	sadd.s32 $0x4000, s22;
	s24 =	simm.s32 $0xF940  }
0xbf: {  	s25 =	simm.s32 $0x10;
	s26 =	simm.s32 $0xF9C8;
	s28 =	sadd.s32 $0x0, s23  }
.LBB2_7:
0xc0: {  	[hbm4b:s28+s3] =	stream.linear.scatter [tilespmem:s24], [sflag:$0x3], $0x80, $0x38;
	[tilespmem:$0x18E00] =	vst v63  }
0xc1: {  	s28 =	smov.u32 s25;
	s24 =	smov.u32 s26;
	p1 =	sne.s32 s25, $0x1F0  }
.Ltmp2:
0xc2: {  	s25 =	sadd.s32 $0x10, s25;
	(pc) =	sbr.rel @p1 .LBB2_7-.Ltmp2, $2  }
0xc3: {  	_ =	sdelay $0x2  }
0xc4: {  	s26 =	sadd.s32 $0x88, s26;
	s28 =	sadd.s32 s28, s23  }
0xc5: {  	[hbm4b:s28+s3] =	stream.linear.scatter [tilespmem:s24], [sflag:$0x3], $0x80, $0x38;
	[tilespmem:$0x18E00] =	vst v63  }
0xc6: {  	s23 =	sadd.s32 $0x8000, s22;
	s24 =	simm.s32 $0x10E80  }
0xc7: {  	s25 =	simm.s32 $0x10;
	s26 =	simm.s32 $0x10F08;
	s28 =	sadd.s32 $0x0, s23  }
.LBB2_9:
0xc8: {  	[hbm4b:s28+s3] =	stream.linear.scatter [tilespmem:s24], [sflag:$0x3], $0x80, $0x38;
	[tilespmem:$0x18E00] =	vst v63  }
0xc9: {  	s28 =	smov.u32 s25;
	s24 =	smov.u32 s26;
	p1 =	sne.s32 s25, $0x1F0  }
.Ltmp3:
0xca: {  	s25 =	sadd.s32 $0x10, s25;
	(pc) =	sbr.rel @p1 .LBB2_9-.Ltmp3, $2  }
0xcb: {  	_ =	sdelay $0x2  }
0xcc: {  	s26 =	sadd.s32 $0x88, s26;
	s28 =	sadd.s32 s28, s23  }
0xcd: {  	[hbm4b:s28+s3] =	stream.linear.scatter [tilespmem:s24], [sflag:$0x3], $0x80, $0x38;
	[tilespmem:$0x18E00] =	vst v63  }
0xce: {  	s22 =	sadd.s32 $0xC000, s22;
	s23 =	simm.s32 $0x123C0  }
0xcf: {  	s24 =	simm.s32 $0x10;
	s25 =	simm.s32 $0x12448;
	s26 =	sadd.s32 $0x0, s22  }
.LBB2_11:
0xd0: {  	[hbm4b:s26+s3] =	stream.linear.scatter [tilespmem:s23], [sflag:$0x3], $0x80, $0x38;
	[tilespmem:$0x18E00] =	vst v63  }
0xd1: {  	s26 =	smov.u32 s24;
	s23 =	smov.u32 s25;
	p1 =	sne.s32 s24, $0x1F0  }
.Ltmp4:
0xd2: {  	s24 =	sadd.s32 $0x10, s24;
	(pc) =	sbr.rel @p1 .LBB2_11-.Ltmp4, $2  }
0xd3: {  	_ =	sdelay $0x2  }
0xd4: {  	s25 =	sadd.s32 $0x88, s25;
	s26 =	sadd.s32 s26, s22  }
0xd5: {  	[hbm4b:s26+s3] =	stream.linear.scatter [tilespmem:s23], [sflag:$0x3], $0x80, $0x38;
	[tilespmem:$0x18E00] =	vst v63  }
0xd6: {  	s22 =	simm.s32 @!p0 $0x4  }
0xd7: {  	_ =	swait.ge @!p0 [sflag:s22], $0x4000  }
0xd8: {  	s25 =	simm.s32 $0x0;
	s26 =	simm.s32 $0x0;
	[sflag:s22] =	ssyncset.done @!p0 $0x0  }
0xd9: {  	v3 =	vmov s26;
	[sflag:s22] =	ssyncadd.s32 @!p0 $0xFFFFC000;
	p0 =	seq.s32 s20, $0x18;
	s22 =	sand.u32 $0x78, s25  }
0xda: {  	v3 =	vmul.u32 $0x440, v3;
	_ =	swait.ge [sflag:s15], $0x4000;
	s23 =	sshll.u32 @!p0 s20, $0xA;
	v4 =	vmov s22  }
0xdb: {  	s24 =	simm.s32 @!p0 $0x6400;
	[sflag:s15] =	ssyncset.done $0x0;
	s22 =	sand.u32 @!p0 $0x3FFFFC00, s23;
	v4 =	vshrl.u32 v4, $0x3  }
0xdc: {  	v3 =	vbroadcast v3, $0x0;
	s23 =	simm.s32 @!p0 $0x200;
	[sflag:s15] =	ssyncadd.s32 $0xFFFFC000;
	s22 =	sadd.s32 @!p0 $0x400, s22;
	v4 =	vshll.u32 v4, v1  }
0xdd: {  	[tilespmem:s24], [sflag:$0x1] =	stream.indirect.gather @!p0 [hbm4b:s4+s23], $0x20, s22, s23, $0xb8;
	v4 =	vbroadcast v4, $0x0;
	[tilespmem:$0x18E00] =	vst v63  }
0xde: {  	v5 =	vadd.s32 v0, v3;
	s23 =	simm.s32 $0xA480;
	s22 =	simm.s32 $0x1  }
0xdf: {  	v3 =	vadd.s32 v2, v3;
	s30 =	sand.u32 $0x78, s22;
	v6 =	vld [tilespmem:s23+$0xFFFFFF80];
	v7 =	vadd.s32 v5, v4  }
0xe0: {  	v9 =	vld [tilespmem:s23+$0xFFFFFF90];
	v8 =	vmov s30;
	v4 =	vadd.s32 v3, v4  }
0xe1: {  	v8 =	vshrl.u32 v8, $0x3  }
0xe2: {  	v8 =	vshll.u32 v8, v1  }
0xe3: {  	v8 =	vbroadcast v8, $0x0  }
0xe4: {  	[tilespmem:v7+s16+$0x0] =	vst.idx.msk $0xffff, v6  }
0xe5: {  	s31 =	simm.s32 $0x2;
	[tilespmem:v4+s16+$0x0] =	vst.idx.msk $0xffff, v9;
	v4 =	vadd.s32 v5, v8  }
0xe6: {  	s24 =	sand.u32 $0x78, s31;
	v6 =	vadd.s32 v3, v8;
	v7 =	vld [tilespmem:s23+$0xFFFFFFA0];
	v4 =	vor.u32 $0x1, v4  }
0xe7: {  	v8 =	vmov s24;
	v6 =	vor.u32 $0x1, v6;
	v9 =	vld [tilespmem:s23+$0xFFFFFFB0]  }
0xe8: {  	v8 =	vshrl.u32 v8, $0x3  }
0xe9: {  	v8 =	vshll.u32 v8, v1  }
0xea: {  	v8 =	vbroadcast v8, $0x0  }
0xeb: {  	[tilespmem:v4+s16+$0x0] =	vst.idx.msk $0xffff, v7  }
0xec: {  	s25 =	simm.s32 $0x3;
	v4 =	vadd.s32 v5, v8;
	[tilespmem:v6+s16+$0x0] =	vst.idx.msk $0xffff, v9  }
0xed: {  	s24 =	sand.u32 $0x78, s25;
	v6 =	vadd.s32 v3, v8;
	v4 =	vor.u32 $0x2, v4;
	v7 =	vld [tilespmem:s23+$0xFFFFFFC0]  }
0xee: {  	v8 =	vmov s24;
	v9 =	vld [tilespmem:s23+$0xFFFFFFD0];
	v6 =	vor.u32 $0x2, v6  }
0xef: {  	v8 =	vshrl.u32 v8, $0x3  }
0xf0: {  	v8 =	vshll.u32 v8, v1  }
0xf1: {  	v8 =	vbroadcast v8, $0x0  }
0xf2: {  	[tilespmem:v4+s16+$0x0] =	vst.idx.msk $0xffff, v7  }
0xf3: {  	s26 =	simm.s32 $0x4;
	v4 =	vadd.s32 v5, v8;
	[tilespmem:v6+s16+$0x0] =	vst.idx.msk $0xffff, v9  }
0xf4: {  	s24 =	sand.u32 $0x78, s26;
	v6 =	vadd.s32 v3, v8;
	v4 =	vor.u32 $0x3, v4;
	v7 =	vld [tilespmem:s23+$0xFFFFFFE0]  }
0xf5: {  	v8 =	vmov s24;
	v9 =	vld [tilespmem:s23+$0xFFFFFFF0];
	v6 =	vor.u32 $0x3, v6  }
0xf6: {  	v8 =	vshrl.u32 v8, $0x3  }
0xf7: {  	v8 =	vshll.u32 v8, v1  }
0xf8: {  	v8 =	vbroadcast v8, $0x0  }
0xf9: {  	[tilespmem:v4+s16+$0x0] =	vst.idx.msk $0xffff, v7  }
0xfa: {  	s30 =	simm.s32 $0x5;
	v4 =	vadd.s32 v5, v8;
	[tilespmem:v6+s16+$0x0] =	vst.idx.msk $0xffff, v9  }
0xfb: {  	s24 =	sand.u32 $0x78, s30;
	v6 =	vadd.s32 v3, v8;
	v4 =	vor.u32 $0x4, v4;
	v7 =	vld [tilespmem:s23+$0x0]  }
0xfc: {  	v8 =	vmov s24;
	v9 =	vld [tilespmem:s23+$0x10];
	v6 =	vor.u32 $0x4, v6  }
0xfd: {  	v8 =	vshrl.u32 v8, $0x3  }
0xfe: {  	v8 =	vshll.u32 v8, v1  }
0xff: {  	v8 =	vbroadcast v8, $0x0  }
0x100: {  	[tilespmem:v4+s16+$0x0] =	vst.idx.msk $0xffff, v7  }
0x101: {  	s31 =	simm.s32 $0x6;
	v4 =	vadd.s32 v5, v8;
	[tilespmem:v6+s16+$0x0] =	vst.idx.msk $0xffff, v9  }
0x102: {  	s24 =	sand.u32 $0x78, s31;
	v6 =	vadd.s32 v3, v8;
	v4 =	vor.u32 $0x5, v4;
	v7 =	vld [tilespmem:s23+$0x20]  }
0x103: {  	v8 =	vmov s24;
	v9 =	vld [tilespmem:s23+$0x30];
	v6 =	vor.u32 $0x5, v6  }
0x104: {  	v8 =	vshrl.u32 v8, $0x3  }
0x105: {  	v8 =	vshll.u32 v8, v1  }
0x106: {  	v8 =	vbroadcast v8, $0x0  }
0x107: {  	[tilespmem:v4+s16+$0x0] =	vst.idx.msk $0xffff, v7  }
0x108: {  	s25 =	simm.s32 $0x7;
	v4 =	vadd.s32 v5, v8;
	[tilespmem:v6+s16+$0x0] =	vst.idx.msk $0xffff, v9  }
0x109: {  	s24 =	sand.u32 $0x78, s25;
	v6 =	vadd.s32 v3, v8;
	v4 =	vor.u32 $0x6, v4;
	v7 =	vld [tilespmem:s23+$0x40]  }
0x10a: {  	v8 =	vmov s24;
	v9 =	vld [tilespmem:s23+$0x50];
	v6 =	vor.u32 $0x6, v6  }
0x10b: {  	v8 =	vshrl.u32 v8, $0x3  }
0x10c: {  	s26 =	simm.s32 $0xB;
	v8 =	vshll.u32 v8, v1  }
0x10d: {  	s25 =	simm.s32 $0x9;
	s24 =	sand.u32 $0x78, s26;
	v8 =	vbroadcast v8, $0x0  }
0x10e: {  	s25 =	sand.u32 $0x78, s25;
	v10 =	vmov s24;
	[tilespmem:v4+s16+$0x0] =	vst.idx.msk $0xffff, v7  }
0x10f: {  	s30 =	simm.s32 $0x8;
	v5 =	vadd.s32 v5, v8;
	v4 =	vshrl.u32 v10, $0x3;
	v7 =	vmov s25;
	[tilespmem:v6+s16+$0x0] =	vst.idx.msk $0xffff, v9  }
0x110: {  	s31 =	simm.s32 $0x0;
	s24 =	sand.u32 $0x78, s30;
	v5 =	vor.u32 $0x7, v5;
	v6 =	vshrl.u32 v7, $0x3;
	v7 =	vadd.s32 v3, v8;
	v12 =	vld [tilespmem:s23+$0x60]  }
0x111: {  	s26 =	simm.s32 $0xA;
	v8 =	vmov s24;
	v3 =	vshll.u32 v6, v1;
	v6 =	vmov s31  }
0x112: {  	s29 =	simm.s32 $0x10;
	s30 =	sand.u32 $0x78, s26;
	v7 =	vor.u32 $0x7, v7;
	v10 =	vshrl.u32 v8, $0x3;
	v8 =	vld [tilespmem:s23+$0x70];
	v6 =	vmul.u32 $0x440, v6  }
0x113: {  	s26 =	simm.s32 $0xE;
	v11 =	vmov s30;
	s30 =	simm.s32 $0xD;
	v4 =	vshll.u32 v4, v1;
	s31 =	simm.s32 $0xC;
	v3 =	vbroadcast v3, $0x0  }
0x114: {  	s24 =	sand.u32 $0x78, s26;
	s28 =	sand.u32 $0x78, s31;
	s31 =	simm.s32 $0xF;
	v9 =	vbroadcast v6, $0x0;
	v6 =	vshll.u32 v10, v1;
	v10 =	vshrl.u32 v11, $0x3  }
0x115: {  	s26 =	sand.u32 $0x78, s30;
	s23 =	simm.s32 $0xA580;
	s25 =	sand.u32 $0x78, s31;
	v11 =	vbroadcast v6, $0x0;
	v6 =	vbroadcast v4, $0x0;
	v4 =	vmov s24;
	[tilespmem:v5+s16+$0x0] =	vst.idx.msk $0xffff, v12  }
.LBB2_13:
0x116: {  	s30 =	sadd.s32 $0x1, s29  }
0x117: {  	s31 =	sadd.s32 $0x3, s29;
	v12 =	vadd.s32 v0, v9;
	v10 =	vshll.u32 v10, v1;
	v5 =	vmov s25;
	[tilespmem:v7+s16+$0x0] =	vst.idx.msk $0xffff, v8;
	s25 =	smov.u32 s29;
	s24 =	sadd.s32 $0x8, s29  }
0x118: {  	p0 =	sne.s32 s29, $0x1F8;
	v9 =	vadd.s32 v2, v9;
	s30 =	sand.u32 $0x78, s30;
	s31 =	sand.u32 $0x78, s31;
	v7 =	vld [tilespmem:s23+$0xFFFFFF80];
	v8 =	vadd.s32 v12, v11;
	v5 =	vshrl.u32 v5, $0x3  }
0x119: {  	v11 =	vadd.s32 v9, v11;
	v13 =	vmov s31;
	v14 =	vld [tilespmem:s23+$0xFFFFFF90];
	v5 =	vshll.u32 v5, v1  }
0x11a: {  	v15 =	vadd.s32 v9, v6;
	v13 =	vshrl.u32 v13, $0x3;
	v16 =	vbroadcast v5, $0x0  }
0x11b: {  	v18 =	vmov s28;
	v17 =	vadd.s32 v9, v3  }
0x11c: {  	v5 =	vshll.u32 v13, v1;
	v13 =	vadd.s32 v12, v16;
	v16 =	vadd.s32 v9, v16  }
0x11d: {  	v6 =	vadd.s32 v12, v6;
	v19 =	vmov s30;
	[tilespmem:v8+s16+$0x0] =	vst.idx.msk $0xffff, v7;
	v7 =	vbroadcast v10, $0x0  }
0x11e: {  	v3 =	vadd.s32 v12, v3;
	v8 =	vshrl.u32 v19, $0x3;
	v10 =	vshrl.u32 v18, $0x3;
	[tilespmem:v11+s16+$0x0] =	vst.idx.msk $0xffff, v14  }
0x11f: {  	v8 =	vshll.u32 v8, v1;
	v14 =	vor.u32 $0x1, v3;
	v10 =	vshll.u32 v10, v1;
	v11 =	vld [tilespmem:s23+$0xFFFFFFA0]  }
0x120: {  	v17 =	vor.u32 $0x1, v17;
	v3 =	vbroadcast v8, $0x0;
	v18 =	vadd.s32 v12, v7;
	v8 =	vld [tilespmem:s23+$0xFFFFFFB0]  }
0x121: {  	v19 =	vmov s26;
	v7 =	vadd.s32 v9, v7;
	v10 =	vbroadcast v10, $0x0  }
0x122: {  	v19 =	vshrl.u32 v19, $0x3  }
0x123: {  	v19 =	vshll.u32 v19, v1;
	v20 =	vadd.s32 v12, v10;
	v10 =	vadd.s32 v9, v10  }
0x124: {  	[tilespmem:v14+s16+$0x0] =	vst.idx.msk $0xffff, v11;
	v11 =	vbroadcast v19, $0x0  }
0x125: {  	[tilespmem:v17+s16+$0x0] =	vst.idx.msk $0xffff, v8  }
0x126: {  	v14 =	vor.u32 $0x2, v18;
	v8 =	vld [tilespmem:s23+$0xFFFFFFC0];
	v17 =	vadd.s32 v12, v11;
	v11 =	vadd.s32 v9, v11  }
0x127: {  	v7 =	vor.u32 $0x2, v7;
	v18 =	vld [tilespmem:s23+$0xFFFFFFD0];
	_ =	sdelay $0x3  }
0x128: {  	[tilespmem:v14+s16+$0x0] =	vst.idx.msk $0xffff, v8  }
0x129: {  	[tilespmem:v7+s16+$0x0] =	vst.idx.msk $0xffff, v18  }
0x12a: {  	v6 =	vor.u32 $0x3, v6;
	v7 =	vld [tilespmem:s23+$0xFFFFFFE0]  }
0x12b: {  	v14 =	vor.u32 $0x3, v15;
	v8 =	vld [tilespmem:s23+$0xFFFFFFF0];
	_ =	sdelay $0x3  }
0x12c: {  	[tilespmem:v6+s16+$0x0] =	vst.idx.msk $0xffff, v7  }
0x12d: {  	[tilespmem:v14+s16+$0x0] =	vst.idx.msk $0xffff, v8  }
0x12e: {  	v7 =	vor.u32 $0x4, v20;
	v6 =	vld [tilespmem:s23+$0x0]  }
0x12f: {  	v10 =	vor.u32 $0x4, v10;
	v8 =	vld [tilespmem:s23+$0x10];
	_ =	sdelay $0x3  }
0x130: {  	[tilespmem:v7+s16+$0x0] =	vst.idx.msk $0xffff, v6  }
0x131: {  	[tilespmem:v10+s16+$0x0] =	vst.idx.msk $0xffff, v8  }
0x132: {  	v7 =	vor.u32 $0x5, v17;
	v6 =	vld [tilespmem:s23+$0x20]  }
0x133: {  	v10 =	vor.u32 $0x5, v11;
	v8 =	vld [tilespmem:s23+$0x30]  }
0x134: {  	v4 =	vshrl.u32 v4, $0x3  }
0x135: {  	v4 =	vshll.u32 v4, v1  }
0x136: {  	v4 =	vbroadcast v4, $0x0  }
0x137: {  	[tilespmem:v7+s16+$0x0] =	vst.idx.msk $0xffff, v6  }
0x138: {  	v6 =	vadd.s32 v12, v4;
	v4 =	vadd.s32 v9, v4;
	[tilespmem:v10+s16+$0x0] =	vst.idx.msk $0xffff, v8  }
0x139: {  	v6 =	vor.u32 $0x6, v6;
	v7 =	vld [tilespmem:s23+$0x40]  }
0x13a: {  	v4 =	vor.u32 $0x6, v4;
	v8 =	vld [tilespmem:s23+$0x50];
	_ =	sdelay $0x3  }
0x13b: {  	[tilespmem:v6+s16+$0x0] =	vst.idx.msk $0xffff, v7  }
0x13c: {  	s22 =	sadd.s32 $0x1, s22;
	[tilespmem:v4+s16+$0x0] =	vst.idx.msk $0xffff, v8  }
0x13d: {  	s26 =	sshrl.u32 s22, $0x4;
	v13 =	vor.u32 $0x7, v13;
	v12 =	vld [tilespmem:s23+$0x60]  }
.Ltmp5:
0x13e: {  	s28 =	sand.u32 $0x78, s25;
	v7 =	vor.u32 $0x7, v16;
	v4 =	vmov s26;
	s26 =	sadd.s32 $0x2, s25;
	v8 =	vld [tilespmem:s23+$0x70];
	(pc) =	sbr.rel @p0 .LBB2_13-.Ltmp5, $4  }
0x13f: {  	v6 =	vmov s28;
	s28 =	sadd.s32 $0x4, s25;
	v4 =	vmul.u32 $0x440, v4;
	s26 =	sand.u32 $0x78, s26  }
0x140: {  	s29 =	sadd.s32 $0x6, s25;
	v6 =	vshrl.u32 v6, $0x3;
	s28 =	sand.u32 $0x78, s28;
	v10 =	vmov s26;
	s26 =	sadd.s32 $0x5, s25  }
0x141: {  	s29 =	sand.u32 $0x78, s29;
	s25 =	sadd.s32 $0x7, s25;
	v9 =	vbroadcast v4, $0x0;
	v4 =	vshll.u32 v6, v1;
	v10 =	vshrl.u32 v10, $0x3;
	s26 =	sand.u32 $0x78, s26  }
0x142: {  	s23 =	sadd.s32 $0x100, s23;
	v6 =	vbroadcast v5, $0x0;
	s25 =	sand.u32 $0x78, s25;
	v11 =	vbroadcast v4, $0x0;
	v4 =	vmov s29;
	s29 =	smov.u32 s24;
	[tilespmem:v13+s16+$0x0] =	vst.idx.msk $0xffff, v12  }
0x143: {  	_ =	sdelay $0x3  }
0x144: {  	v5 =	vadd.s32 v0, v9;
	[tilespmem:v7+s16+$0x0] =	vst.idx.msk $0xffff, v8  }
0x145: {  	v49 =	vadd.s32 v2, v9;
	v7 =	vld [tilespmem:s23+$0xFFFFFF80];
	v48 =	vadd.s32 v5, v11  }
0x146: {  	v12 =	vld [tilespmem:s23+$0xFFFFFF90];
	v50 =	vadd.s32 v49, v11;
	_ =	sdelay $0x3  }
0x147: {  	[tilespmem:v48+s16+$0x0] =	vst.idx.msk $0xffff, v7  }
0x148: {  	v51 =	vadd.s32 v5, v3;
	[tilespmem:v50+s16+$0x0] =	vst.idx.msk $0xffff, v12  }
0x149: {  	v3 =	vadd.s32 v49, v3;
	v7 =	vor.u32 $0x1, v51;
	v8 =	vld [tilespmem:s23+$0xFFFFFFA0]  }
0x14a: {  	v3 =	vor.u32 $0x1, v3;
	v11 =	vld [tilespmem:s23+$0xFFFFFFB0];
	_ =	sdelay $0x1  }
0x14b: {  	v10 =	vshll.u32 v10, v1  }
0x14c: {  	v10 =	vbroadcast v10, $0x0  }
0x14d: {  	[tilespmem:v7+s16+$0x0] =	vst.idx.msk $0xffff, v8  }
0x14e: {  	v52 =	vadd.s32 v5, v10;
	[tilespmem:v3+s16+$0x0] =	vst.idx.msk $0xffff, v11  }
0x14f: {  	v7 =	vor.u32 $0x2, v52;
	v3 =	vadd.s32 v49, v10;
	v8 =	vld [tilespmem:s23+$0xFFFFFFC0]  }
0x150: {  	v53 =	vld [tilespmem:s23+$0xFFFFFFD0];
	v3 =	vor.u32 $0x2, v3;
	_ =	sdelay $0x3  }
0x151: {  	[tilespmem:v7+s16+$0x0] =	vst.idx.msk $0xffff, v8  }
0x152: {  	v54 =	vadd.s32 v5, v6;
	[tilespmem:v3+s16+$0x0] =	vst.idx.msk $0xffff, v53  }
0x153: {  	v7 =	vor.u32 $0x3, v54;
	v3 =	vadd.s32 v49, v6;
	v55 =	vld [tilespmem:s23+$0xFFFFFFE0]  }
0x154: {  	v56 =	vmov s28;
	v10 =	vld [tilespmem:s23+$0xFFFFFFF0];
	v3 =	vor.u32 $0x3, v3  }
0x155: {  	v8 =	vshrl.u32 v56, $0x3  }
0x156: {  	v8 =	vshll.u32 v8, v1  }
0x157: {  	v8 =	vbroadcast v8, $0x0  }
0x158: {  	[tilespmem:v7+s16+$0x0] =	vst.idx.msk $0xffff, v55  }
0x159: {  	v57 =	vadd.s32 v5, v8;
	[tilespmem:v3+s16+$0x0] =	vst.idx.msk $0xffff, v10  }
0x15a: {  	v6 =	vor.u32 $0x4, v57;
	v3 =	vadd.s32 v49, v8;
	v7 =	vld [tilespmem:s23+$0x0]  }
0x15b: {  	v58 =	vmov s26;
	v10 =	vld [tilespmem:s23+$0x10];
	v3 =	vor.u32 $0x4, v3  }
0x15c: {  	v8 =	vshrl.u32 v58, $0x3  }
0x15d: {  	v8 =	vshll.u32 v8, v1  }
0x15e: {  	v8 =	vbroadcast v8, $0x0  }
0x15f: {  	[tilespmem:v6+s16+$0x0] =	vst.idx.msk $0xffff, v7  }
0x160: {  	v59 =	vadd.s32 v5, v8;
	[tilespmem:v3+s16+$0x0] =	vst.idx.msk $0xffff, v10  }
0x161: {  	v6 =	vor.u32 $0x5, v59;
	v3 =	vadd.s32 v49, v8;
	v7 =	vld [tilespmem:s23+$0x20]  }
0x162: {  	v60 =	vld [tilespmem:s23+$0x30];
	v3 =	vor.u32 $0x5, v3  }
0x163: {  	v4 =	vshrl.u32 v4, $0x3  }
0x164: {  	v4 =	vshll.u32 v4, v1  }
0x165: {  	v4 =	vbroadcast v4, $0x0  }
0x166: {  	[tilespmem:v6+s16+$0x0] =	vst.idx.msk $0xffff, v7  }
0x167: {  	[tilespmem:v3+s16+$0x0] =	vst.idx.msk $0xffff, v60;
	v3 =	vadd.s32 v5, v4  }
0x168: {  	v4 =	vadd.s32 v49, v4;
	v6 =	vld [tilespmem:s23+$0x40];
	v3 =	vor.u32 $0x6, v3  }
0x169: {  	v61 =	vmov s25;
	v8 =	vld [tilespmem:s23+$0x50];
	v4 =	vor.u32 $0x6, v4  }
0x16a: {  	v7 =	vshrl.u32 v61, $0x3  }
0x16b: {  	v7 =	vshll.u32 v7, v1  }
0x16c: {  	v7 =	vbroadcast v7, $0x0  }
0x16d: {  	[tilespmem:v3+s16+$0x0] =	vst.idx.msk $0xffff, v6  }
0x16e: {  	v3 =	vadd.s32 v5, v7;
	[tilespmem:v4+s16+$0x0] =	vst.idx.msk $0xffff, v8  }
0x16f: {  	v62 =	vadd.s32 v49, v7;
	v3 =	vor.u32 $0x7, v3;
	v63 =	vld [tilespmem:s23+$0x60]  }
0x170: {  	v4 =	vor.u32 $0x7, v62;
	v6 =	vld [tilespmem:s23+$0x70]  }
0x171: {  	s21 =	sshll.u32 s21, $0x13  }
0x172: {  	s21 =	sor.u32 s6, s21  }
0x173: {  	s21 =	sshrl.u32 s21, $0x3  }
0x174: {  	s22 =	simm.s32 $0x13900;
	s21 =	sadd.s32 s1, s21;
	[tilespmem:v3+s16+$0x0] =	vst.idx.msk $0xffff, v63  }
0x175: {  	s24 =	simm.s32 $0x13988;
	s25 =	sadd.s32 $0x0, s21;
	s23 =	simm.s32 $0x10;
	[tilespmem:v4+s16+$0x0] =	vst.idx.msk $0xffff, v6  }
.LBB2_15:
0x176: {  	[hbm4b:s25+s3] =	stream.linear.scatter [tilespmem:s22], [sflag:$0x4], $0x80, $0x38;
	[tilespmem:$0x18E00] =	vst v63  }
0x177: {  	s25 =	smov.u32 s23;
	s22 =	smov.u32 s24;
	p0 =	sne.s32 s23, $0x1F0  }
.Ltmp6:
0x178: {  	s23 =	sadd.s32 $0x10, s23;
	(pc) =	sbr.rel @p0 .LBB2_15-.Ltmp6, $2  }
0x179: {  	_ =	sdelay $0x2  }
0x17a: {  	s24 =	sadd.s32 $0x88, s24;
	s25 =	sadd.s32 s25, s21  }
0x17b: {  	[hbm4b:s25+s3] =	stream.linear.scatter [tilespmem:s22], [sflag:$0x4], $0x80, $0x38;
	[tilespmem:$0x18E00] =	vst v63  }
0x17c: {  	s22 =	sadd.s32 $0x4000, s21;
	s23 =	simm.s32 $0x14E40  }
0x17d: {  	s24 =	simm.s32 $0x10;
	s25 =	simm.s32 $0x14EC8;
	s26 =	sadd.s32 $0x0, s22  }
.LBB2_17:
0x17e: {  	[hbm4b:s26+s3] =	stream.linear.scatter [tilespmem:s23], [sflag:$0x4], $0x80, $0x38;
	[tilespmem:$0x18E00] =	vst v63  }
0x17f: {  	s26 =	smov.u32 s24;
	s23 =	smov.u32 s25;
	p0 =	sne.s32 s24, $0x1F0  }
.Ltmp7:
0x180: {  	s24 =	sadd.s32 $0x10, s24;
	(pc) =	sbr.rel @p0 .LBB2_17-.Ltmp7, $2  }
0x181: {  	_ =	sdelay $0x2  }
0x182: {  	s25 =	sadd.s32 $0x88, s25;
	s26 =	sadd.s32 s26, s22  }
0x183: {  	[hbm4b:s26+s3] =	stream.linear.scatter [tilespmem:s23], [sflag:$0x4], $0x80, $0x38;
	[tilespmem:$0x18E00] =	vst v63  }
0x184: {  	s22 =	sadd.s32 $0x8000, s21;
	s23 =	simm.s32 $0x16380  }
0x185: {  	s24 =	simm.s32 $0x10;
	s25 =	simm.s32 $0x16408;
	s26 =	sadd.s32 $0x0, s22  }
.LBB2_19:
0x186: {  	[hbm4b:s26+s3] =	stream.linear.scatter [tilespmem:s23], [sflag:$0x4], $0x80, $0x38;
	[tilespmem:$0x18E00] =	vst v63  }
0x187: {  	s26 =	smov.u32 s24;
	s23 =	smov.u32 s25;
	p0 =	sne.s32 s24, $0x1F0  }
.Ltmp8:
0x188: {  	s24 =	sadd.s32 $0x10, s24;
	(pc) =	sbr.rel @p0 .LBB2_19-.Ltmp8, $2  }
0x189: {  	_ =	sdelay $0x2  }
0x18a: {  	s25 =	sadd.s32 $0x88, s25;
	s26 =	sadd.s32 s26, s22  }
0x18b: {  	[hbm4b:s26+s3] =	stream.linear.scatter [tilespmem:s23], [sflag:$0x4], $0x80, $0x38;
	[tilespmem:$0x18E00] =	vst v63  }
0x18c: {  	s21 =	sadd.s32 $0xC000, s21;
	s22 =	simm.s32 $0x178C0  }
0x18d: {  	s23 =	simm.s32 $0x10;
	s24 =	simm.s32 $0x17948;
	s25 =	sadd.s32 $0x0, s21  }
.LBB2_21:
0x18e: {  	[hbm4b:s25+s3] =	stream.linear.scatter [tilespmem:s22], [sflag:$0x4], $0x80, $0x38;
	[tilespmem:$0x18E00] =	vst v63  }
0x18f: {  	s25 =	smov.u32 s23;
	s22 =	smov.u32 s24;
	p0 =	sne.s32 s23, $0x1F0  }
.Ltmp9:
0x190: {  	s23 =	sadd.s32 $0x10, s23;
	(pc) =	sbr.rel @p0 .LBB2_21-.Ltmp9, $2  }
0x191: {  	_ =	sdelay $0x2  }
0x192: {  	s24 =	sadd.s32 $0x88, s24;
	s25 =	sadd.s32 s25, s21  }
0x193: {  	s20 =	sadd.s32 $0x1, s20  }
0x194: {  	p0 =	sne.s32 s20, $0x19  }
.Ltmp10:
0x195: {  	_ = 	snop;
	(pc) =	sbr.rel @p0 .LBB2_2-.Ltmp10, $2  }
0x196: {  	_ =	sdelay $0x2  }
0x197: {  	[hbm4b:s25+s3] =	stream.linear.scatter [tilespmem:s22], [sflag:$0x4], $0x80, $0x38;
	[tilespmem:$0x18E00] =	vst v63  }
0x198: {  	s19 =	sadd.s32 $0x1, s19  }
0x199: {  	_ =	swait.ge [sflag:s17], $0x4000;
	p0 =	sne.s32 s19, s7  }
.Ltmp11:
0x19a: {  	[sflag:s17] =	ssyncset.done $0x0;
	(pc) =	sbr.rel @p0 .LBB2_1-.Ltmp11, $4  }
0x19b: {  	[sflag:s17] =	ssyncadd.s32 $0xFFFFC000  }
0x19c: {  	_ =	swait.ge [sflag:s18], $0x4000  }
0x19d: {  	[sflag:s18] =	ssyncset.done $0x0  }
0x19e: {  	[sflag:s18] =	ssyncadd.s32 $0xFFFFC000  }
0x19f: {  	_ =	sfence.sel $0x180000  }
0x1a0: {  	[bflag:$0x0] =	sbarrier.arrive $0xFFFF  }
0x1a1: {  	p0 =	sne.s32 s2, $0x0;
	_ =	strace $0x90000047  }
0x1a2: {  	s0 =	sadd.s32 @!p0 $0x100000, s0;
	[bflag:$0x2] =	sbarrier.arrive $0xFFFF  }
0x1a3: {  	[sflag:s0] =	ssyncadd.tile.s32 @!p0 $0x1;
	_ =	shalt  }
.Lfunc_end2:
_tile_overlayer_lowered:
.L_overlay_start_2:
0x1a4: {  	(tag) =	ssettag $0x2  }
0x1a5: {  	s0 =	rddreg [dreg:$0x0];
	s2 =	stileid.u32  }
0x1a6: {  	s1 =	rddreg [dreg:$0x1];
	p0 =	sne.s32 s2, $0x0  }
0x1a7: {  	s3 =	rddreg [dreg:$0x2];
	[bflag:$0x3] =	sbarrier.arrive $0xFFFF;
	s2 =	simm.s32 @!p0 $0x1C05  }
0x1a8: {  	[timem:s3], [sflag:s2] =	dma.local @!p0 [hbm:s0], s1  }
0x1a9: {  	s0 =	simm.s32 @!p0 $0x5  }
0x1aa: {  	_ =	swait.ge @!p0 [sflag:s0], s1  }
0x1ab: {  	s1 =	ssub.s32 @!p0 $0x0, s1;
	[sflag:s0] =	ssyncset.done @!p0 $0x0  }
0x1ac: {  	[sflag:s0] =	ssyncadd.s32 @!p0 s1  }
0x1ad: {  	[bflag:$0x3] =	sbarrier.arrive $0xFFFF  }
0x1ae: {  	_ =	shalt  }

</sc_bundles>
